<compile_context>
chip_gen: v7x
topology: tpu7x:2x2x1
jax: 0.10.2.dev20260603
libtpu: 0.0.44.dev20260713+nightly
codegen_flags: <defaults>
</compile_context>

<pallas_src>
import jax
import jax.numpy as jnp
from jax import lax
from jax.experimental import pallas as pl
from jax.experimental.pallas import tpu as pltpu
from jax.experimental.pallas import tpu_sc as plsc

R = 128
C = 32768
NC = 2
NS = 16
L = 16
RPW = 2
SC_ROWS = NC * NS * RPW
TC_ROWS = R - SC_ROWS
K = 8
STEPS = C // L
GROUPS = STEPS // K
TCB = 16

_BIG = 2**30



def _shuffle(x, d):
    perm = lax.iota(jnp.int32, L) ^ d
    return x.at[perm].get(mode="promise_in_bounds")


H = C // 2
HGROUPS = H // (K * L)


def _fresh_carry():
    neg_inf = jnp.full((L,), -jnp.inf, jnp.float32)
    zero = jnp.zeros((L,), jnp.int32)
    return (neg_inf,) * K, (zero,) * K, zero


def _scan_half(buf, off, carry):

    def body(g, carry):
        ms, gs, gvec = carry
        base = off + g * (K * L)
        new_ms, new_gs = [], []
        for k in range(K):
            v = buf[pl.ds(base + k * L, L)]
            p = v > ms[k]
            new_ms.append(jnp.maximum(ms[k], v))
            new_gs.append(jnp.where(p, gvec, gs[k]))
        return tuple(new_ms), tuple(new_gs), gvec + 1

    return lax.fori_loop(0, HGROUPS, body, carry)


def _finish_row(carry):
    ms, gs, _ = carry
    iota = lax.iota(jnp.int32, L)
    m = ms[0]
    for k in range(1, K):
        m = jnp.maximum(m, ms[k])
    for d in (1, 2, 4, 8):
        m = jnp.maximum(m, _shuffle(m, d))
    cand = jnp.full((L,), _BIG, jnp.int32)
    for k in range(K):
        idx_k = lax.bitwise_or(lax.shift_left(gs[k], 7), iota + k * L)
        cand = jnp.minimum(cand, jnp.where(ms[k] == m, idx_k, _BIG))
    for d in (1, 2, 4, 8):
        cand = jnp.minimum(cand, _shuffle(cand, d))
    return cand


def _sc_body(x_hbm, out_hbm, buf, res_v, sem0, sem1, sem2, sem3):
    c = lax.axis_index("c")
    s = lax.axis_index("s")
    wid = c * NS + s
    base_row = wid * RPW
    sems = (sem0, sem1, sem2, sem3)
    nchunks = 2 * RPW

    def chunk_src(i):
        return x_hbm.at[base_row + i // 2, pl.ds((i % 2) * H, H)]

    copies = [pltpu.async_copy(chunk_src(0), buf.at[pl.ds(0, H)], sems[0])]
    for i in range(nchunks):
        if i + 1 < nchunks:
            copies.append(
                pltpu.async_copy(
                    chunk_src(i + 1), buf.at[pl.ds((i + 1) * H, H)], sems[i + 1]
                )
            )
        copies[i].wait()
        if i % 2 == 0:
            carry = _fresh_carry()
        carry = _scan_half(buf, i * H, carry)
        if i % 2 == 1:
            res_v[...] = _finish_row(carry).astype(jnp.float32)
            pltpu.sync_copy(res_v, out_hbm.at[base_row + i // 2])


_sc_argmax = pl.kernel(
    _sc_body,
    out_type=jax.ShapeDtypeStruct((SC_ROWS, L), jnp.float32),
    mesh=plsc.VectorSubcoreMesh(core_axis_name="c", subcore_axis_name="s"),
    scratch_types=[
        pltpu.VMEM((2 * C,), jnp.float32),
        pltpu.VMEM((L,), jnp.float32),
        pltpu.SemaphoreType.DMA,
        pltpu.SemaphoreType.DMA,
        pltpu.SemaphoreType.DMA,
        pltpu.SemaphoreType.DMA,
    ],
)



KT = 8


def _tc_body(x_ref, o_ref):
    def group(g, carry):
        ms, gs, gvec = carry
        new_ms, new_gs = [], []
        for k in range(KT):
            v = x_ref[:, pl.ds((g * KT + k) * 128, 128)]
            p = v > ms[k]
            new_ms.append(jnp.maximum(ms[k], v))
            new_gs.append(jnp.where(p, gvec, gs[k]))
        return tuple(new_ms), tuple(new_gs), gvec + 1

    m0 = jnp.full((TCB, 128), -jnp.inf, jnp.float32)
    z = jnp.zeros((TCB, 128), jnp.int32)
    ms, gs, _ = lax.fori_loop(
        0, C // 128 // KT, group, ((m0,) * KT, (z,) * KT, z)
    )
    m = ms[0]
    for k in range(1, KT):
        m = jnp.maximum(m, ms[k])
    mm = jnp.max(m, axis=1, keepdims=True)
    lane = jax.lax.broadcasted_iota(jnp.int32, (TCB, 128), 1)
    cand = jnp.full((TCB, 128), _BIG, jnp.int32)
    for k in range(KT):
        idx_k = lax.bitwise_or(lax.shift_left(gs[k] * KT + k, 7), lane)
        cand = jnp.minimum(cand, jnp.where(ms[k] == mm, idx_k, _BIG))
    best = jnp.min(cand, axis=1, keepdims=True)
    o_ref[...] = jnp.broadcast_to(best, (TCB, 128)).astype(jnp.float32)


def _make_tc(row0, nrows):
    return pl.pallas_call(
        _tc_body,
        grid=(nrows // TCB,),
        in_specs=[pl.BlockSpec((TCB, C), lambda i, r0=row0: (i + r0 // TCB, 0))],
        out_specs=pl.BlockSpec((TCB, 128), lambda i: (i, 0)),
        out_shape=jax.ShapeDtypeStruct((nrows, 128), jnp.float32),
    )


_tc_argmax = _make_tc(SC_ROWS, TC_ROWS)


def kernel(x):
    y = _sc_argmax(x)
    tc = _tc_argmax(x)
    return jnp.concatenate([y[:, :1], tc[:, :1]], axis=0)

# --- scband reference (transcript-rebuilt; emitter-appended) ---
"""Pipeline reference for scband-arg-max-23965917511775 (READ-ONLY COPY).

The authoritative reference and input builder live on the scoring server;
editing this copy changes nothing except your own understanding.
"""

import jax, jax.numpy as jnp
import numpy as np


def setup_inputs(seed: int = 0) -> dict:
    key = jax.random.key(seed)
    x = jax.random.normal(key, (128, 32768), dtype=jnp.float32)
    return {"x": x}


def reference(x):
    # torch: unsqueeze(argmax(x, dim=1), dim=1).type(float32)
    idx = jnp.argmax(x, axis=1)
    out = jnp.expand_dims(idx, axis=1).astype(jnp.float32)
    return out

if __name__ == "__main__":
    import jax
    _d = setup_inputs()
    print(jax.jit(kernel)(*tuple(_d.values())))

</pallas_src>

<mosaic_0001>
#map = affine_map<(d0, d1) -> (0, 0)>
module attributes {stable_mosaic.version = 14 : i64} {
  func.func @_sc_body(%arg0: i32, %arg1: i32, %arg2: memref<128x32768xf32, #tpu.memory_space<hbm>>, %arg3: memref<64x16xf32, #tpu.memory_space<hbm>>, %arg4: memref<65536xf32, #tpu.memory_space<vmem>>, %arg5: memref<16xf32, #tpu.memory_space<vmem>>, %arg6: memref<!tpu.dma_semaphore, #tpu.memory_space<semaphore_mem>>, %arg7: memref<!tpu.dma_semaphore, #tpu.memory_space<semaphore_mem>>, %arg8: memref<!tpu.dma_semaphore, #tpu.memory_space<semaphore_mem>>, %arg9: memref<!tpu.dma_semaphore, #tpu.memory_space<semaphore_mem>>) attributes {dimension_semantics = [#tpu.dimension_semantics<core_parallel>, #tpu.dimension_semantics<subcore_parallel>], iteration_bounds = array<i64: 2, 16>, scalar_prefetch = 0 : i64, scratch_operands = 6 : i64, tpu.core_type = #tpu.core_type<sc_vector_subcore>, window_params = [{transform_indices = #map}, {transform_indices = #map}]} {
    %mul3A = arith.constant 16 : i32
    %mul3A_0 = arith.muli %arg0, %mul3A : i32
    %add3A = arith.addi %mul3A_0, %arg1 : i32
    %mul3A_1 = arith.constant 2 : i32
    %mul3A_2 = arith.muli %add3A, %mul3A_1 : i32
    %add3A_3 = arith.constant 0 : i32
    %add3A_4 = arith.addi %mul3A_2, %add3A_3 : i32
    %dma_start3A = arith.constant 0 : i32
    %dma_start3A_5 = tpu.memref_slice %arg4[%dma_start3A] : memref<65536xf32, #tpu.memory_space<vmem>> -> memref<16384xf32, #tpu.memory_space<vmem>>
    %dma_start3A_6 = arith.constant 0 : i32
    %dma_start3A_7 = tpu.memref_slice %arg2[%add3A_4, %dma_start3A_6] : memref<128x32768xf32, #tpu.memory_space<hbm>> -> memref<1x16384xf32, #tpu.memory_space<hbm>>
    %dma_start3A_8 = tpu.memref_squeeze %dma_start3A_7 : memref<1x16384xf32, #tpu.memory_space<hbm>> -> memref<16384xf32, #tpu.memory_space<hbm>>
    %dma_start3A_9 = arith.constant 0 : i32
    %dma_start3A_10 = tpu.memref_slice %arg4[%dma_start3A_9] : memref<65536xf32, #tpu.memory_space<vmem>> -> memref<16384xf32, #tpu.memory_space<vmem>>
    %dma_start3A_11 = arith.constant 0 : i32
    %dma_start3A_12 = tpu.memref_slice %arg2[%add3A_4, %dma_start3A_11] : memref<128x32768xf32, #tpu.memory_space<hbm>> -> memref<1x16384xf32, #tpu.memory_space<hbm>>
    %dma_start3A_13 = tpu.memref_squeeze %dma_start3A_12 : memref<1x16384xf32, #tpu.memory_space<hbm>> -> memref<16384xf32, #tpu.memory_space<hbm>>
    tpu.enqueue_dma source(%dma_start3A_13 : memref<16384xf32, #tpu.memory_space<hbm>>) target(%dma_start3A_10 : memref<16384xf32, #tpu.memory_space<vmem>>) target_semaphore(%arg6 : memref<!tpu.dma_semaphore, #tpu.memory_space<semaphore_mem>>)
    %add3A_14 = arith.constant 0 : i32
    %add3A_15 = arith.addi %mul3A_2, %add3A_14 : i32
    %dma_start3A_16 = arith.constant 16384 : i32
    %dma_start3A_17 = tpu.memref_slice %arg4[%dma_start3A_16] : memref<65536xf32, #tpu.memory_space<vmem>> -> memref<16384xf32, #tpu.memory_space<vmem>>
    %dma_start3A_18 = arith.constant 16384 : i32
    %dma_start3A_19 = tpu.memref_slice %arg2[%add3A_15, %dma_start3A_18] : memref<128x32768xf32, #tpu.memory_space<hbm>> -> memref<1x16384xf32, #tpu.memory_space<hbm>>
    %dma_start3A_20 = tpu.memref_squeeze %dma_start3A_19 : memref<1x16384xf32, #tpu.memory_space<hbm>> -> memref<16384xf32, #tpu.memory_space<hbm>>
    %dma_start3A_21 = arith.constant 16384 : i32
    %dma_start3A_22 = tpu.memref_slice %arg4[%dma_start3A_21] : memref<65536xf32, #tpu.memory_space<vmem>> -> memref<16384xf32, #tpu.memory_space<vmem>>
    %dma_start3A_23 = arith.constant 16384 : i32
    %dma_start3A_24 = tpu.memref_slice %arg2[%add3A_15, %dma_start3A_23] : memref<128x32768xf32, #tpu.memory_space<hbm>> -> memref<1x16384xf32, #tpu.memory_space<hbm>>
    %dma_start3A_25 = tpu.memref_squeeze %dma_start3A_24 : memref<1x16384xf32, #tpu.memory_space<hbm>> -> memref<16384xf32, #tpu.memory_space<hbm>>
    tpu.enqueue_dma source(%dma_start3A_25 : memref<16384xf32, #tpu.memory_space<hbm>>) target(%dma_start3A_22 : memref<16384xf32, #tpu.memory_space<vmem>>) target_semaphore(%arg7 : memref<!tpu.dma_semaphore, #tpu.memory_space<semaphore_mem>>)
    %dma_wait3A = arith.constant 0 : i32
    %dma_wait3A_26 = tpu.memref_slice %arg4[%dma_wait3A] : memref<65536xf32, #tpu.memory_space<vmem>> -> memref<16384xf32, #tpu.memory_space<vmem>>
    %dma_wait3A_27 = arith.constant 0 : i32
    %dma_wait3A_28 = tpu.memref_slice %arg2[%add3A_4, %dma_wait3A_27] : memref<128x32768xf32, #tpu.memory_space<hbm>> -> memref<1x16384xf32, #tpu.memory_space<hbm>>
    %dma_wait3A_29 = tpu.memref_squeeze %dma_wait3A_28 : memref<1x16384xf32, #tpu.memory_space<hbm>> -> memref<16384xf32, #tpu.memory_space<hbm>>
    %dma_wait3A_30 = arith.constant 0 : i32
    %dma_wait3A_31 = tpu.memref_slice %arg4[%dma_wait3A_30] : memref<65536xf32, #tpu.memory_space<vmem>> -> memref<16384xf32, #tpu.memory_space<vmem>>
    %dma_wait3A_32 = arith.constant 0 : i32
    %dma_wait3A_33 = tpu.memref_slice %arg2[%add3A_4, %dma_wait3A_32] : memref<128x32768xf32, #tpu.memory_space<hbm>> -> memref<1x16384xf32, #tpu.memory_space<hbm>>
    %dma_wait3A_34 = tpu.memref_squeeze %dma_wait3A_33 : memref<1x16384xf32, #tpu.memory_space<hbm>> -> memref<16384xf32, #tpu.memory_space<hbm>>
    tpu.wait_dma2 semaphore(%arg6 : memref<!tpu.dma_semaphore, #tpu.memory_space<semaphore_mem>>) src(%dma_wait3A_34 : memref<16384xf32, #tpu.memory_space<hbm>>) dst(%dma_wait3A_31 : memref<16384xf32, #tpu.memory_space<vmem>>)
    %broadcast_in_dim3A = arith.constant 0xFF800000 : f32
    %broadcast_in_dim3A_35 = vector.broadcast %broadcast_in_dim3A : f32 to vector<16xf32>
    %broadcast_in_dim3A_36 = arith.constant 0 : i32
    %broadcast_in_dim3A_37 = vector.broadcast %broadcast_in_dim3A_36 : i32 to vector<16xi32>
    %scan3A = arith.constant 0 : i32
    %scan3A_38 = arith.constant 128 : i32
    %scan3A_39 = arith.addi %scan3A, %scan3A_38 : i32
    %scan3A_40 = arith.constant 1 : i32
    %scan3A_41:17 = scf.for %scan3A_572 = %scan3A to %scan3A_39 step %scan3A_40 iter_args(%scan3A_573 = %broadcast_in_dim3A_35, %scan3A_574 = %broadcast_in_dim3A_35, %scan3A_575 = %broadcast_in_dim3A_35, %scan3A_576 = %broadcast_in_dim3A_35, %scan3A_577 = %broadcast_in_dim3A_35, %scan3A_578 = %broadcast_in_dim3A_35, %scan3A_579 = %broadcast_in_dim3A_35, %scan3A_580 = %broadcast_in_dim3A_35, %scan3A_581 = %broadcast_in_dim3A_37, %scan3A_582 = %broadcast_in_dim3A_37, %scan3A_583 = %broadcast_in_dim3A_37, %scan3A_584 = %broadcast_in_dim3A_37, %scan3A_585 = %broadcast_in_dim3A_37, %scan3A_586 = %broadcast_in_dim3A_37, %scan3A_587 = %broadcast_in_dim3A_37, %scan3A_588 = %broadcast_in_dim3A_37, %scan3A_589 = %broadcast_in_dim3A_37) -> (vector<16xf32>, vector<16xf32>, vector<16xf32>, vector<16xf32>, vector<16xf32>, vector<16xf32>, vector<16xf32>, vector<16xf32>, vector<16xi32>, vector<16xi32>, vector<16xi32>, vector<16xi32>, vector<16xi32>, vector<16xi32>, vector<16xi32>, vector<16xi32>, vector<16xi32>)  : i32 {
      %mul3A_590 = arith.constant 128 : i32
      %mul3A_591 = arith.muli %scan3A_572, %mul3A_590 : i32
      %add3A_592 = arith.constant 0 : i32
      %add3A_593 = arith.addi %add3A_592, %mul3A_591 : i32
      %add3A_594 = arith.constant 0 : i32
      %add3A_595 = arith.addi %add3A_593, %add3A_594 : i32
      %get3A = arith.index_cast %add3A_595 : i32 to index
      %get3A_596 = tpu.vector_load %arg4[%get3A] {strides = array<i32>} : memref<65536xf32, #tpu.memory_space<vmem>>, vector<16xf32>,
      %get3A_597 = vector.shape_cast %get3A_596 : vector<16xf32> to vector<16xf32>
      %gt3A = arith.cmpf ogt, %get3A_597, %scan3A_573 : vector<16xf32>
      %max3A_598 = arith.maximumf %scan3A_573, %get3A_597 : vector<16xf32>
      %select_n3A_599 = arith.select %gt3A, %scan3A_589, %scan3A_581 : vector<16xi1>, vector<16xi32>
      %add3A_600 = arith.constant 16 : i32
      %add3A_601 = arith.addi %add3A_593, %add3A_600 : i32
      %get3A_602 = arith.index_cast %add3A_601 : i32 to index
      %get3A_603 = tpu.vector_load %arg4[%get3A_602] {strides = array<i32>} : memref<65536xf32, #tpu.memory_space<vmem>>, vector<16xf32>,
      %get3A_604 = vector.shape_cast %get3A_603 : vector<16xf32> to vector<16xf32>
      %gt3A_605 = arith.cmpf ogt, %get3A_604, %scan3A_574 : vector<16xf32>
      %max3A_606 = arith.maximumf %scan3A_574, %get3A_604 : vector<16xf32>
      %select_n3A_607 = arith.select %gt3A_605, %scan3A_589, %scan3A_582 : vector<16xi1>, vector<16xi32>
      %add3A_608 = arith.constant 32 : i32
      %add3A_609 = arith.addi %add3A_593, %add3A_608 : i32
      %get3A_610 = arith.index_cast %add3A_609 : i32 to index
      %get3A_611 = tpu.vector_load %arg4[%get3A_610] {strides = array<i32>} : memref<65536xf32, #tpu.memory_space<vmem>>, vector<16xf32>,
      %get3A_612 = vector.shape_cast %get3A_611 : vector<16xf32> to vector<16xf32>
      %gt3A_613 = arith.cmpf ogt, %get3A_612, %scan3A_575 : vector<16xf32>
      %max3A_614 = arith.maximumf %scan3A_575, %get3A_612 : vector<16xf32>
      %select_n3A_615 = arith.select %gt3A_613, %scan3A_589, %scan3A_583 : vector<16xi1>, vector<16xi32>
      %add3A_616 = arith.constant 48 : i32
      %add3A_617 = arith.addi %add3A_593, %add3A_616 : i32
      %get3A_618 = arith.index_cast %add3A_617 : i32 to index
      %get3A_619 = tpu.vector_load %arg4[%get3A_618] {strides = array<i32>} : memref<65536xf32, #tpu.memory_space<vmem>>, vector<16xf32>,
      %get3A_620 = vector.shape_cast %get3A_619 : vector<16xf32> to vector<16xf32>
      %gt3A_621 = arith.cmpf ogt, %get3A_620, %scan3A_576 : vector<16xf32>
      %max3A_622 = arith.maximumf %scan3A_576, %get3A_620 : vector<16xf32>
      %select_n3A_623 = arith.select %gt3A_621, %scan3A_589, %scan3A_584 : vector<16xi1>, vector<16xi32>
      %add3A_624 = arith.constant 64 : i32
      %add3A_625 = arith.addi %add3A_593, %add3A_624 : i32
      %get3A_626 = arith.index_cast %add3A_625 : i32 to index
      %get3A_627 = tpu.vector_load %arg4[%get3A_626] {strides = array<i32>} : memref<65536xf32, #tpu.memory_space<vmem>>, vector<16xf32>,
      %get3A_628 = vector.shape_cast %get3A_627 : vector<16xf32> to vector<16xf32>
      %gt3A_629 = arith.cmpf ogt, %get3A_628, %scan3A_577 : vector<16xf32>
      %max3A_630 = arith.maximumf %scan3A_577, %get3A_628 : vector<16xf32>
      %select_n3A_631 = arith.select %gt3A_629, %scan3A_589, %scan3A_585 : vector<16xi1>, vector<16xi32>
      %add3A_632 = arith.constant 80 : i32
      %add3A_633 = arith.addi %add3A_593, %add3A_632 : i32
      %get3A_634 = arith.index_cast %add3A_633 : i32 to index
      %get3A_635 = tpu.vector_load %arg4[%get3A_634] {strides = array<i32>} : memref<65536xf32, #tpu.memory_space<vmem>>, vector<16xf32>,
      %get3A_636 = vector.shape_cast %get3A_635 : vector<16xf32> to vector<16xf32>
      %gt3A_637 = arith.cmpf ogt, %get3A_636, %scan3A_578 : vector<16xf32>
      %max3A_638 = arith.maximumf %scan3A_578, %get3A_636 : vector<16xf32>
      %select_n3A_639 = arith.select %gt3A_637, %scan3A_589, %scan3A_586 : vector<16xi1>, vector<16xi32>
      %add3A_640 = arith.constant 96 : i32
      %add3A_641 = arith.addi %add3A_593, %add3A_640 : i32
      %get3A_642 = arith.index_cast %add3A_641 : i32 to index
      %get3A_643 = tpu.vector_load %arg4[%get3A_642] {strides = array<i32>} : memref<65536xf32, #tpu.memory_space<vmem>>, vector<16xf32>,
      %get3A_644 = vector.shape_cast %get3A_643 : vector<16xf32> to vector<16xf32>
      %gt3A_645 = arith.cmpf ogt, %get3A_644, %scan3A_579 : vector<16xf32>
      %max3A_646 = arith.maximumf %scan3A_579, %get3A_644 : vector<16xf32>
      %select_n3A_647 = arith.select %gt3A_645, %scan3A_589, %scan3A_587 : vector<16xi1>, vector<16xi32>
      %add3A_648 = arith.constant 112 : i32
      %add3A_649 = arith.addi %add3A_593, %add3A_648 : i32
      %get3A_650 = arith.index_cast %add3A_649 : i32 to index
      %get3A_651 = tpu.vector_load %arg4[%get3A_650] {strides = array<i32>} : memref<65536xf32, #tpu.memory_space<vmem>>, vector<16xf32>,
      %get3A_652 = vector.shape_cast %get3A_651 : vector<16xf32> to vector<16xf32>
      %gt3A_653 = arith.cmpf ogt, %get3A_652, %scan3A_580 : vector<16xf32>
      %max3A_654 = arith.maximumf %scan3A_580, %get3A_652 : vector<16xf32>
      %select_n3A_655 = arith.select %gt3A_653, %scan3A_589, %scan3A_588 : vector<16xi1>, vector<16xi32>
      %add3A_656 = arith.constant 1 : i32
      %add3A_657 = vector.broadcast %add3A_656 : i32 to vector<16xi32>
      %add3A_658 = arith.addi %scan3A_589, %add3A_657 : vector<16xi32>
      scf.yield %max3A_598, %max3A_606, %max3A_614, %max3A_622, %max3A_630, %max3A_638, %max3A_646, %max3A_654, %select_n3A_599, %select_n3A_607, %select_n3A_615, %select_n3A_623, %select_n3A_631, %select_n3A_639, %select_n3A_647, %select_n3A_655, %add3A_658 : vector<16xf32>, vector<16xf32>, vector<16xf32>, vector<16xf32>, vector<16xf32>, vector<16xf32>, vector<16xf32>, vector<16xf32>, vector<16xi32>, vector<16xi32>, vector<16xi32>, vector<16xi32>, vector<16xi32>, vector<16xi32>, vector<16xi32>, vector<16xi32>, vector<16xi32>
    }
    %scan3A_42 = arith.constant 128 : i32
    %add3A_43 = arith.constant 1 : i32
    %add3A_44 = arith.addi %mul3A_2, %add3A_43 : i32
    %dma_start3A_45 = arith.constant 32768 : i32
    %dma_start3A_46 = tpu.memref_slice %arg4[%dma_start3A_45] : memref<65536xf32, #tpu.memory_space<vmem>> -> memref<16384xf32, #tpu.memory_space<vmem>>
    %dma_start3A_47 = arith.constant 0 : i32
    %dma_start3A_48 = tpu.memref_slice %arg2[%add3A_44, %dma_start3A_47] : memref<128x32768xf32, #tpu.memory_space<hbm>> -> memref<1x16384xf32, #tpu.memory_space<hbm>>
    %dma_start3A_49 = tpu.memref_squeeze %dma_start3A_48 : memref<1x16384xf32, #tpu.memory_space<hbm>> -> memref<16384xf32, #tpu.memory_space<hbm>>
    %dma_start3A_50 = arith.constant 32768 : i32
    %dma_start3A_51 = tpu.memref_slice %arg4[%dma_start3A_50] : memref<65536xf32, #tpu.memory_space<vmem>> -> memref<16384xf32, #tpu.memory_space<vmem>>
    %dma_start3A_52 = arith.constant 0 : i32
    %dma_start3A_53 = tpu.memref_slice %arg2[%add3A_44, %dma_start3A_52] : memref<128x32768xf32, #tpu.memory_space<hbm>> -> memref<1x16384xf32, #tpu.memory_space<hbm>>
    %dma_start3A_54 = tpu.memref_squeeze %dma_start3A_53 : memref<1x16384xf32, #tpu.memory_space<hbm>> -> memref<16384xf32, #tpu.memory_space<hbm>>
    tpu.enqueue_dma source(%dma_start3A_54 : memref<16384xf32, #tpu.memory_space<hbm>>) target(%dma_start3A_51 : memref<16384xf32, #tpu.memory_space<vmem>>) target_semaphore(%arg8 : memref<!tpu.dma_semaphore, #tpu.memory_space<semaphore_mem>>)
    %dma_wait3A_55 = arith.constant 16384 : i32
    %dma_wait3A_56 = tpu.memref_slice %arg4[%dma_wait3A_55] : memref<65536xf32, #tpu.memory_space<vmem>> -> memref<16384xf32, #tpu.memory_space<vmem>>
    %dma_wait3A_57 = arith.constant 16384 : i32
    %dma_wait3A_58 = tpu.memref_slice %arg2[%add3A_15, %dma_wait3A_57] : memref<128x32768xf32, #tpu.memory_space<hbm>> -> memref<1x16384xf32, #tpu.memory_space<hbm>>
    %dma_wait3A_59 = tpu.memref_squeeze %dma_wait3A_58 : memref<1x16384xf32, #tpu.memory_space<hbm>> -> memref<16384xf32, #tpu.memory_space<hbm>>
    %dma_wait3A_60 = arith.constant 16384 : i32
    %dma_wait3A_61 = tpu.memref_slice %arg4[%dma_wait3A_60] : memref<65536xf32, #tpu.memory_space<vmem>> -> memref<16384xf32, #tpu.memory_space<vmem>>
    %dma_wait3A_62 = arith.constant 16384 : i32
    %dma_wait3A_63 = tpu.memref_slice %arg2[%add3A_15, %dma_wait3A_62] : memref<128x32768xf32, #tpu.memory_space<hbm>> -> memref<1x16384xf32, #tpu.memory_space<hbm>>
    %dma_wait3A_64 = tpu.memref_squeeze %dma_wait3A_63 : memref<1x16384xf32, #tpu.memory_space<hbm>> -> memref<16384xf32, #tpu.memory_space<hbm>>
    tpu.wait_dma2 semaphore(%arg7 : memref<!tpu.dma_semaphore, #tpu.memory_space<semaphore_mem>>) src(%dma_wait3A_64 : memref<16384xf32, #tpu.memory_space<hbm>>) dst(%dma_wait3A_61 : memref<16384xf32, #tpu.memory_space<vmem>>)
    %scan3A_65 = arith.constant 0 : i32
    %scan3A_66 = arith.constant 128 : i32
    %scan3A_67 = arith.addi %scan3A_65, %scan3A_66 : i32
    %scan3A_68 = arith.constant 1 : i32
    %scan3A_69:17 = scf.for %scan3A_572 = %scan3A_65 to %scan3A_67 step %scan3A_68 iter_args(%scan3A_573 = %scan3A_41#0, %scan3A_574 = %scan3A_41#1, %scan3A_575 = %scan3A_41#2, %scan3A_576 = %scan3A_41#3, %scan3A_577 = %scan3A_41#4, %scan3A_578 = %scan3A_41#5, %scan3A_579 = %scan3A_41#6, %scan3A_580 = %scan3A_41#7, %scan3A_581 = %scan3A_41#8, %scan3A_582 = %scan3A_41#9, %scan3A_583 = %scan3A_41#10, %scan3A_584 = %scan3A_41#11, %scan3A_585 = %scan3A_41#12, %scan3A_586 = %scan3A_41#13, %scan3A_587 = %scan3A_41#14, %scan3A_588 = %scan3A_41#15, %scan3A_589 = %scan3A_41#16) -> (vector<16xf32>, vector<16xf32>, vector<16xf32>, vector<16xf32>, vector<16xf32>, vector<16xf32>, vector<16xf32>, vector<16xf32>, vector<16xi32>, vector<16xi32>, vector<16xi32>, vector<16xi32>, vector<16xi32>, vector<16xi32>, vector<16xi32>, vector<16xi32>, vector<16xi32>)  : i32 {
      %mul3A_590 = arith.constant 128 : i32
      %mul3A_591 = arith.muli %scan3A_572, %mul3A_590 : i32
      %add3A_592 = arith.constant 16384 : i32
      %add3A_593 = arith.addi %add3A_592, %mul3A_591 : i32
      %add3A_594 = arith.constant 0 : i32
      %add3A_595 = arith.addi %add3A_593, %add3A_594 : i32
      %get3A = arith.index_cast %add3A_595 : i32 to index
      %get3A_596 = tpu.vector_load %arg4[%get3A] {strides = array<i32>} : memref<65536xf32, #tpu.memory_space<vmem>>, vector<16xf32>,
      %get3A_597 = vector.shape_cast %get3A_596 : vector<16xf32> to vector<16xf32>
      %gt3A = arith.cmpf ogt, %get3A_597, %scan3A_573 : vector<16xf32>
      %max3A_598 = arith.maximumf %scan3A_573, %get3A_597 : vector<16xf32>
      %select_n3A_599 = arith.select %gt3A, %scan3A_589, %scan3A_581 : vector<16xi1>, vector<16xi32>
      %add3A_600 = arith.constant 16 : i32
      %add3A_601 = arith.addi %add3A_593, %add3A_600 : i32
      %get3A_602 = arith.index_cast %add3A_601 : i32 to index
      %get3A_603 = tpu.vector_load %arg4[%get3A_602] {strides = array<i32>} : memref<65536xf32, #tpu.memory_space<vmem>>, vector<16xf32>,
      %get3A_604 = vector.shape_cast %get3A_603 : vector<16xf32> to vector<16xf32>
      %gt3A_605 = arith.cmpf ogt, %get3A_604, %scan3A_574 : vector<16xf32>
      %max3A_606 = arith.maximumf %scan3A_574, %get3A_604 : vector<16xf32>
      %select_n3A_607 = arith.select %gt3A_605, %scan3A_589, %scan3A_582 : vector<16xi1>, vector<16xi32>
      %add3A_608 = arith.constant 32 : i32
      %add3A_609 = arith.addi %add3A_593, %add3A_608 : i32
      %get3A_610 = arith.index_cast %add3A_609 : i32 to index
      %get3A_611 = tpu.vector_load %arg4[%get3A_610] {strides = array<i32>} : memref<65536xf32, #tpu.memory_space<vmem>>, vector<16xf32>,
      %get3A_612 = vector.shape_cast %get3A_611 : vector<16xf32> to vector<16xf32>
      %gt3A_613 = arith.cmpf ogt, %get3A_612, %scan3A_575 : vector<16xf32>
      %max3A_614 = arith.maximumf %scan3A_575, %get3A_612 : vector<16xf32>
      %select_n3A_615 = arith.select %gt3A_613, %scan3A_589, %scan3A_583 : vector<16xi1>, vector<16xi32>
      %add3A_616 = arith.constant 48 : i32
      %add3A_617 = arith.addi %add3A_593, %add3A_616 : i32
      %get3A_618 = arith.index_cast %add3A_617 : i32 to index
      %get3A_619 = tpu.vector_load %arg4[%get3A_618] {strides = array<i32>} : memref<65536xf32, #tpu.memory_space<vmem>>, vector<16xf32>,
      %get3A_620 = vector.shape_cast %get3A_619 : vector<16xf32> to vector<16xf32>
      %gt3A_621 = arith.cmpf ogt, %get3A_620, %scan3A_576 : vector<16xf32>
      %max3A_622 = arith.maximumf %scan3A_576, %get3A_620 : vector<16xf32>
      %select_n3A_623 = arith.select %gt3A_621, %scan3A_589, %scan3A_584 : vector<16xi1>, vector<16xi32>
      %add3A_624 = arith.constant 64 : i32
      %add3A_625 = arith.addi %add3A_593, %add3A_624 : i32
      %get3A_626 = arith.index_cast %add3A_625 : i32 to index
      %get3A_627 = tpu.vector_load %arg4[%get3A_626] {strides = array<i32>} : memref<65536xf32, #tpu.memory_space<vmem>>, vector<16xf32>,
      %get3A_628 = vector.shape_cast %get3A_627 : vector<16xf32> to vector<16xf32>
      %gt3A_629 = arith.cmpf ogt, %get3A_628, %scan3A_577 : vector<16xf32>
      %max3A_630 = arith.maximumf %scan3A_577, %get3A_628 : vector<16xf32>
      %select_n3A_631 = arith.select %gt3A_629, %scan3A_589, %scan3A_585 : vector<16xi1>, vector<16xi32>
      %add3A_632 = arith.constant 80 : i32
      %add3A_633 = arith.addi %add3A_593, %add3A_632 : i32
      %get3A_634 = arith.index_cast %add3A_633 : i32 to index
      %get3A_635 = tpu.vector_load %arg4[%get3A_634] {strides = array<i32>} : memref<65536xf32, #tpu.memory_space<vmem>>, vector<16xf32>,
      %get3A_636 = vector.shape_cast %get3A_635 : vector<16xf32> to vector<16xf32>
      %gt3A_637 = arith.cmpf ogt, %get3A_636, %scan3A_578 : vector<16xf32>
      %max3A_638 = arith.maximumf %scan3A_578, %get3A_636 : vector<16xf32>
      %select_n3A_639 = arith.select %gt3A_637, %scan3A_589, %scan3A_586 : vector<16xi1>, vector<16xi32>
      %add3A_640 = arith.constant 96 : i32
      %add3A_641 = arith.addi %add3A_593, %add3A_640 : i32
      %get3A_642 = arith.index_cast %add3A_641 : i32 to index
      %get3A_643 = tpu.vector_load %arg4[%get3A_642] {strides = array<i32>} : memref<65536xf32, #tpu.memory_space<vmem>>, vector<16xf32>,
      %get3A_644 = vector.shape_cast %get3A_643 : vector<16xf32> to vector<16xf32>
      %gt3A_645 = arith.cmpf ogt, %get3A_644, %scan3A_579 : vector<16xf32>
      %max3A_646 = arith.maximumf %scan3A_579, %get3A_644 : vector<16xf32>
      %select_n3A_647 = arith.select %gt3A_645, %scan3A_589, %scan3A_587 : vector<16xi1>, vector<16xi32>
      %add3A_648 = arith.constant 112 : i32
      %add3A_649 = arith.addi %add3A_593, %add3A_648 : i32
      %get3A_650 = arith.index_cast %add3A_649 : i32 to index
      %get3A_651 = tpu.vector_load %arg4[%get3A_650] {strides = array<i32>} : memref<65536xf32, #tpu.memory_space<vmem>>, vector<16xf32>,
      %get3A_652 = vector.shape_cast %get3A_651 : vector<16xf32> to vector<16xf32>
      %gt3A_653 = arith.cmpf ogt, %get3A_652, %scan3A_580 : vector<16xf32>
      %max3A_654 = arith.maximumf %scan3A_580, %get3A_652 : vector<16xf32>
      %select_n3A_655 = arith.select %gt3A_653, %scan3A_589, %scan3A_588 : vector<16xi1>, vector<16xi32>
      %add3A_656 = arith.constant 1 : i32
      %add3A_657 = vector.broadcast %add3A_656 : i32 to vector<16xi32>
      %add3A_658 = arith.addi %scan3A_589, %add3A_657 : vector<16xi32>
      scf.yield %max3A_598, %max3A_606, %max3A_614, %max3A_622, %max3A_630, %max3A_638, %max3A_646, %max3A_654, %select_n3A_599, %select_n3A_607, %select_n3A_615, %select_n3A_623, %select_n3A_631, %select_n3A_639, %select_n3A_647, %select_n3A_655, %add3A_658 : vector<16xf32>, vector<16xf32>, vector<16xf32>, vector<16xf32>, vector<16xf32>, vector<16xf32>, vector<16xf32>, vector<16xf32>, vector<16xi32>, vector<16xi32>, vector<16xi32>, vector<16xi32>, vector<16xi32>, vector<16xi32>, vector<16xi32>, vector<16xi32>, vector<16xi32>
    }
    %scan3A_70 = arith.constant 128 : i32
    %iota3A = tpu.iota {dimensions = array<i32: 0>} : vector<16xi32>
    %max3A = arith.maximumf %scan3A_69#0, %scan3A_69#1 : vector<16xf32>
    %max3A_71 = arith.maximumf %max3A, %scan3A_69#2 : vector<16xf32>
    %max3A_72 = arith.maximumf %max3A_71, %scan3A_69#3 : vector<16xf32>
    %max3A_73 = arith.maximumf %max3A_72, %scan3A_69#4 : vector<16xf32>
    %max3A_74 = arith.maximumf %max3A_73, %scan3A_69#5 : vector<16xf32>
    %max3A_75 = arith.maximumf %max3A_74, %scan3A_69#6 : vector<16xf32>
    %max3A_76 = arith.maximumf %max3A_75, %scan3A_69#7 : vector<16xf32>
    %iota3A_77 = tpu.iota {dimensions = array<i32: 0>} : vector<16xi32>
    %xor3A = arith.constant 1 : i32
    %xor3A_78 = vector.broadcast %xor3A : i32 to vector<16xi32>
    %xor3A_79 = arith.xori %iota3A_77, %xor3A_78 : vector<16xi32>
    %lt3A = arith.constant 0 : i32
    %lt3A_80 = vector.broadcast %lt3A : i32 to vector<16xi32>
    %lt3A_81 = arith.cmpi slt, %xor3A_79, %lt3A_80 : vector<16xi32>
    %add3A_82 = arith.constant 16 : i32
    %add3A_83 = vector.broadcast %add3A_82 : i32 to vector<16xi32>
    %add3A_84 = arith.addi %xor3A_79, %add3A_83 : vector<16xi32>
    %select_n3A = arith.select %lt3A_81, %add3A_84, %xor3A_79 : vector<16xi1>, vector<16xi32>
    %broadcast_in_dim3A_85 = vector.shape_cast %select_n3A : vector<16xi32> to vector<16x1xi32>
    %gather3A = vector.shape_cast %broadcast_in_dim3A_85 : vector<16x1xi32> to vector<16xi32>
    %gather3A_86 = tpu.dynamic_gather %max3A_76[%gather3A] in [0] : vector<16xf32>, vector<16xi32> -> vector<16xf32>
    %max3A_87 = arith.maximumf %max3A_76, %gather3A_86 : vector<16xf32>
    %iota3A_88 = tpu.iota {dimensions = array<i32: 0>} : vector<16xi32>
    %xor3A_89 = arith.constant 2 : i32
    %xor3A_90 = vector.broadcast %xor3A_89 : i32 to vector<16xi32>
    %xor3A_91 = arith.xori %iota3A_88, %xor3A_90 : vector<16xi32>
    %lt3A_92 = arith.constant 0 : i32
    %lt3A_93 = vector.broadcast %lt3A_92 : i32 to vector<16xi32>
    %lt3A_94 = arith.cmpi slt, %xor3A_91, %lt3A_93 : vector<16xi32>
    %add3A_95 = arith.constant 16 : i32
    %add3A_96 = vector.broadcast %add3A_95 : i32 to vector<16xi32>
    %add3A_97 = arith.addi %xor3A_91, %add3A_96 : vector<16xi32>
    %select_n3A_98 = arith.select %lt3A_94, %add3A_97, %xor3A_91 : vector<16xi1>, vector<16xi32>
    %broadcast_in_dim3A_99 = vector.shape_cast %select_n3A_98 : vector<16xi32> to vector<16x1xi32>
    %gather3A_100 = vector.shape_cast %broadcast_in_dim3A_99 : vector<16x1xi32> to vector<16xi32>
    %gather3A_101 = tpu.dynamic_gather %max3A_87[%gather3A_100] in [0] : vector<16xf32>, vector<16xi32> -> vector<16xf32>
    %max3A_102 = arith.maximumf %max3A_87, %gather3A_101 : vector<16xf32>
    %iota3A_103 = tpu.iota {dimensions = array<i32: 0>} : vector<16xi32>
    %xor3A_104 = arith.constant 4 : i32
    %xor3A_105 = vector.broadcast %xor3A_104 : i32 to vector<16xi32>
    %xor3A_106 = arith.xori %iota3A_103, %xor3A_105 : vector<16xi32>
    %lt3A_107 = arith.constant 0 : i32
    %lt3A_108 = vector.broadcast %lt3A_107 : i32 to vector<16xi32>
    %lt3A_109 = arith.cmpi slt, %xor3A_106, %lt3A_108 : vector<16xi32>
    %add3A_110 = arith.constant 16 : i32
    %add3A_111 = vector.broadcast %add3A_110 : i32 to vector<16xi32>
    %add3A_112 = arith.addi %xor3A_106, %add3A_111 : vector<16xi32>
    %select_n3A_113 = arith.select %lt3A_109, %add3A_112, %xor3A_106 : vector<16xi1>, vector<16xi32>
    %broadcast_in_dim3A_114 = vector.shape_cast %select_n3A_113 : vector<16xi32> to vector<16x1xi32>
    %gather3A_115 = vector.shape_cast %broadcast_in_dim3A_114 : vector<16x1xi32> to vector<16xi32>
    %gather3A_116 = tpu.dynamic_gather %max3A_102[%gather3A_115] in [0] : vector<16xf32>, vector<16xi32> -> vector<16xf32>
    %max3A_117 = arith.maximumf %max3A_102, %gather3A_116 : vector<16xf32>
    %iota3A_118 = tpu.iota {dimensions = array<i32: 0>} : vector<16xi32>
    %xor3A_119 = arith.constant 8 : i32
    %xor3A_120 = vector.broadcast %xor3A_119 : i32 to vector<16xi32>
    %xor3A_121 = arith.xori %iota3A_118, %xor3A_120 : vector<16xi32>
    %lt3A_122 = arith.constant 0 : i32
    %lt3A_123 = vector.broadcast %lt3A_122 : i32 to vector<16xi32>
    %lt3A_124 = arith.cmpi slt, %xor3A_121, %lt3A_123 : vector<16xi32>
    %add3A_125 = arith.constant 16 : i32
    %add3A_126 = vector.broadcast %add3A_125 : i32 to vector<16xi32>
    %add3A_127 = arith.addi %xor3A_121, %add3A_126 : vector<16xi32>
    %select_n3A_128 = arith.select %lt3A_124, %add3A_127, %xor3A_121 : vector<16xi1>, vector<16xi32>
    %broadcast_in_dim3A_129 = vector.shape_cast %select_n3A_128 : vector<16xi32> to vector<16x1xi32>
    %gather3A_130 = vector.shape_cast %broadcast_in_dim3A_129 : vector<16x1xi32> to vector<16xi32>
    %gather3A_131 = tpu.dynamic_gather %max3A_117[%gather3A_130] in [0] : vector<16xf32>, vector<16xi32> -> vector<16xf32>
    %max3A_132 = arith.maximumf %max3A_117, %gather3A_131 : vector<16xf32>
    %broadcast_in_dim3A_133 = arith.constant 1073741824 : i32
    %broadcast_in_dim3A_134 = vector.broadcast %broadcast_in_dim3A_133 : i32 to vector<16xi32>
    %shift_left3A = arith.constant 7 : i32
    %shift_left3A_135 = vector.broadcast %shift_left3A : i32 to vector<16xi32>
    %shift_left3A_136 = arith.shli %scan3A_69#8, %shift_left3A_135 : vector<16xi32>
    %add3A_137 = arith.constant 0 : i32
    %add3A_138 = vector.broadcast %add3A_137 : i32 to vector<16xi32>
    %add3A_139 = arith.addi %iota3A, %add3A_138 : vector<16xi32>
    %or3A = arith.ori %shift_left3A_136, %add3A_139 : vector<16xi32>
    %eq3A = arith.cmpf oeq, %scan3A_69#0, %max3A_132 : vector<16xf32>
    %jit3A = arith.constant 1073741824 : i32
    %broadcast_in_dim3A_140 = vector.broadcast %jit3A : i32 to vector<16xi32>
    %select_n3A_141 = arith.select %eq3A, %or3A, %broadcast_in_dim3A_140 : vector<16xi1>, vector<16xi32>
    %min3A = arith.minsi %broadcast_in_dim3A_134, %select_n3A_141 : vector<16xi32>
    %shift_left3A_142 = arith.constant 7 : i32
    %shift_left3A_143 = vector.broadcast %shift_left3A_142 : i32 to vector<16xi32>
    %shift_left3A_144 = arith.shli %scan3A_69#9, %shift_left3A_143 : vector<16xi32>
    %add3A_145 = arith.constant 16 : i32
    %add3A_146 = vector.broadcast %add3A_145 : i32 to vector<16xi32>
    %add3A_147 = arith.addi %iota3A, %add3A_146 : vector<16xi32>
    %or3A_148 = arith.ori %shift_left3A_144, %add3A_147 : vector<16xi32>
    %eq3A_149 = arith.cmpf oeq, %scan3A_69#1, %max3A_132 : vector<16xf32>
    %jit3A_150 = arith.constant 1073741824 : i32
    %broadcast_in_dim3A_151 = vector.broadcast %jit3A_150 : i32 to vector<16xi32>
    %select_n3A_152 = arith.select %eq3A_149, %or3A_148, %broadcast_in_dim3A_151 : vector<16xi1>, vector<16xi32>
    %min3A_153 = arith.minsi %min3A, %select_n3A_152 : vector<16xi32>
    %shift_left3A_154 = arith.constant 7 : i32
    %shift_left3A_155 = vector.broadcast %shift_left3A_154 : i32 to vector<16xi32>
    %shift_left3A_156 = arith.shli %scan3A_69#10, %shift_left3A_155 : vector<16xi32>
    %add3A_157 = arith.constant 32 : i32
    %add3A_158 = vector.broadcast %add3A_157 : i32 to vector<16xi32>
    %add3A_159 = arith.addi %iota3A, %add3A_158 : vector<16xi32>
    %or3A_160 = arith.ori %shift_left3A_156, %add3A_159 : vector<16xi32>
    %eq3A_161 = arith.cmpf oeq, %scan3A_69#2, %max3A_132 : vector<16xf32>
    %jit3A_162 = arith.constant 1073741824 : i32
    %broadcast_in_dim3A_163 = vector.broadcast %jit3A_162 : i32 to vector<16xi32>
    %select_n3A_164 = arith.select %eq3A_161, %or3A_160, %broadcast_in_dim3A_163 : vector<16xi1>, vector<16xi32>
    %min3A_165 = arith.minsi %min3A_153, %select_n3A_164 : vector<16xi32>
    %shift_left3A_166 = arith.constant 7 : i32
    %shift_left3A_167 = vector.broadcast %shift_left3A_166 : i32 to vector<16xi32>
    %shift_left3A_168 = arith.shli %scan3A_69#11, %shift_left3A_167 : vector<16xi32>
    %add3A_169 = arith.constant 48 : i32
    %add3A_170 = vector.broadcast %add3A_169 : i32 to vector<16xi32>
    %add3A_171 = arith.addi %iota3A, %add3A_170 : vector<16xi32>
    %or3A_172 = arith.ori %shift_left3A_168, %add3A_171 : vector<16xi32>
    %eq3A_173 = arith.cmpf oeq, %scan3A_69#3, %max3A_132 : vector<16xf32>
    %jit3A_174 = arith.constant 1073741824 : i32
    %broadcast_in_dim3A_175 = vector.broadcast %jit3A_174 : i32 to vector<16xi32>
    %select_n3A_176 = arith.select %eq3A_173, %or3A_172, %broadcast_in_dim3A_175 : vector<16xi1>, vector<16xi32>
    %min3A_177 = arith.minsi %min3A_165, %select_n3A_176 : vector<16xi32>
    %shift_left3A_178 = arith.constant 7 : i32
    %shift_left3A_179 = vector.broadcast %shift_left3A_178 : i32 to vector<16xi32>
    %shift_left3A_180 = arith.shli %scan3A_69#12, %shift_left3A_179 : vector<16xi32>
    %add3A_181 = arith.constant 64 : i32
    %add3A_182 = vector.broadcast %add3A_181 : i32 to vector<16xi32>
    %add3A_183 = arith.addi %iota3A, %add3A_182 : vector<16xi32>
    %or3A_184 = arith.ori %shift_left3A_180, %add3A_183 : vector<16xi32>
    %eq3A_185 = arith.cmpf oeq, %scan3A_69#4, %max3A_132 : vector<16xf32>
    %jit3A_186 = arith.constant 1073741824 : i32
    %broadcast_in_dim3A_187 = vector.broadcast %jit3A_186 : i32 to vector<16xi32>
    %select_n3A_188 = arith.select %eq3A_185, %or3A_184, %broadcast_in_dim3A_187 : vector<16xi1>, vector<16xi32>
    %min3A_189 = arith.minsi %min3A_177, %select_n3A_188 : vector<16xi32>
    %shift_left3A_190 = arith.constant 7 : i32
    %shift_left3A_191 = vector.broadcast %shift_left3A_190 : i32 to vector<16xi32>
    %shift_left3A_192 = arith.shli %scan3A_69#13, %shift_left3A_191 : vector<16xi32>
    %add3A_193 = arith.constant 80 : i32
    %add3A_194 = vector.broadcast %add3A_193 : i32 to vector<16xi32>
    %add3A_195 = arith.addi %iota3A, %add3A_194 : vector<16xi32>
    %or3A_196 = arith.ori %shift_left3A_192, %add3A_195 : vector<16xi32>
    %eq3A_197 = arith.cmpf oeq, %scan3A_69#5, %max3A_132 : vector<16xf32>
    %jit3A_198 = arith.constant 1073741824 : i32
    %broadcast_in_dim3A_199 = vector.broadcast %jit3A_198 : i32 to vector<16xi32>
    %select_n3A_200 = arith.select %eq3A_197, %or3A_196, %broadcast_in_dim3A_199 : vector<16xi1>, vector<16xi32>
    %min3A_201 = arith.minsi %min3A_189, %select_n3A_200 : vector<16xi32>
    %shift_left3A_202 = arith.constant 7 : i32
    %shift_left3A_203 = vector.broadcast %shift_left3A_202 : i32 to vector<16xi32>
    %shift_left3A_204 = arith.shli %scan3A_69#14, %shift_left3A_203 : vector<16xi32>
    %add3A_205 = arith.constant 96 : i32
    %add3A_206 = vector.broadcast %add3A_205 : i32 to vector<16xi32>
    %add3A_207 = arith.addi %iota3A, %add3A_206 : vector<16xi32>
    %or3A_208 = arith.ori %shift_left3A_204, %add3A_207 : vector<16xi32>
    %eq3A_209 = arith.cmpf oeq, %scan3A_69#6, %max3A_132 : vector<16xf32>
    %jit3A_210 = arith.constant 1073741824 : i32
    %broadcast_in_dim3A_211 = vector.broadcast %jit3A_210 : i32 to vector<16xi32>
    %select_n3A_212 = arith.select %eq3A_209, %or3A_208, %broadcast_in_dim3A_211 : vector<16xi1>, vector<16xi32>
    %min3A_213 = arith.minsi %min3A_201, %select_n3A_212 : vector<16xi32>
    %shift_left3A_214 = arith.constant 7 : i32
    %shift_left3A_215 = vector.broadcast %shift_left3A_214 : i32 to vector<16xi32>
    %shift_left3A_216 = arith.shli %scan3A_69#15, %shift_left3A_215 : vector<16xi32>
    %add3A_217 = arith.constant 112 : i32
    %add3A_218 = vector.broadcast %add3A_217 : i32 to vector<16xi32>
    %add3A_219 = arith.addi %iota3A, %add3A_218 : vector<16xi32>
    %or3A_220 = arith.ori %shift_left3A_216, %add3A_219 : vector<16xi32>
    %eq3A_221 = arith.cmpf oeq, %scan3A_69#7, %max3A_132 : vector<16xf32>
    %jit3A_222 = arith.constant 1073741824 : i32
    %broadcast_in_dim3A_223 = vector.broadcast %jit3A_222 : i32 to vector<16xi32>
    %select_n3A_224 = arith.select %eq3A_221, %or3A_220, %broadcast_in_dim3A_223 : vector<16xi1>, vector<16xi32>
    %min3A_225 = arith.minsi %min3A_213, %select_n3A_224 : vector<16xi32>
    %iota3A_226 = tpu.iota {dimensions = array<i32: 0>} : vector<16xi32>
    %xor3A_227 = arith.constant 1 : i32
    %xor3A_228 = vector.broadcast %xor3A_227 : i32 to vector<16xi32>
    %xor3A_229 = arith.xori %iota3A_226, %xor3A_228 : vector<16xi32>
    %lt3A_230 = arith.constant 0 : i32
    %lt3A_231 = vector.broadcast %lt3A_230 : i32 to vector<16xi32>
    %lt3A_232 = arith.cmpi slt, %xor3A_229, %lt3A_231 : vector<16xi32>
    %add3A_233 = arith.constant 16 : i32
    %add3A_234 = vector.broadcast %add3A_233 : i32 to vector<16xi32>
    %add3A_235 = arith.addi %xor3A_229, %add3A_234 : vector<16xi32>
    %select_n3A_236 = arith.select %lt3A_232, %add3A_235, %xor3A_229 : vector<16xi1>, vector<16xi32>
    %broadcast_in_dim3A_237 = vector.shape_cast %select_n3A_236 : vector<16xi32> to vector<16x1xi32>
    %gather3A_238 = vector.shape_cast %broadcast_in_dim3A_237 : vector<16x1xi32> to vector<16xi32>
    %gather3A_239 = tpu.dynamic_gather %min3A_225[%gather3A_238] in [0] : vector<16xi32>, vector<16xi32> -> vector<16xi32>
    %min3A_240 = arith.minsi %min3A_225, %gather3A_239 : vector<16xi32>
    %iota3A_241 = tpu.iota {dimensions = array<i32: 0>} : vector<16xi32>
    %xor3A_242 = arith.constant 2 : i32
    %xor3A_243 = vector.broadcast %xor3A_242 : i32 to vector<16xi32>
    %xor3A_244 = arith.xori %iota3A_241, %xor3A_243 : vector<16xi32>
    %lt3A_245 = arith.constant 0 : i32
    %lt3A_246 = vector.broadcast %lt3A_245 : i32 to vector<16xi32>
    %lt3A_247 = arith.cmpi slt, %xor3A_244, %lt3A_246 : vector<16xi32>
    %add3A_248 = arith.constant 16 : i32
    %add3A_249 = vector.broadcast %add3A_248 : i32 to vector<16xi32>
    %add3A_250 = arith.addi %xor3A_244, %add3A_249 : vector<16xi32>
    %select_n3A_251 = arith.select %lt3A_247, %add3A_250, %xor3A_244 : vector<16xi1>, vector<16xi32>
    %broadcast_in_dim3A_252 = vector.shape_cast %select_n3A_251 : vector<16xi32> to vector<16x1xi32>
    %gather3A_253 = vector.shape_cast %broadcast_in_dim3A_252 : vector<16x1xi32> to vector<16xi32>
    %gather3A_254 = tpu.dynamic_gather %min3A_240[%gather3A_253] in [0] : vector<16xi32>, vector<16xi32> -> vector<16xi32>
    %min3A_255 = arith.minsi %min3A_240, %gather3A_254 : vector<16xi32>
    %iota3A_256 = tpu.iota {dimensions = array<i32: 0>} : vector<16xi32>
    %xor3A_257 = arith.constant 4 : i32
    %xor3A_258 = vector.broadcast %xor3A_257 : i32 to vector<16xi32>
    %xor3A_259 = arith.xori %iota3A_256, %xor3A_258 : vector<16xi32>
    %lt3A_260 = arith.constant 0 : i32
    %lt3A_261 = vector.broadcast %lt3A_260 : i32 to vector<16xi32>
    %lt3A_262 = arith.cmpi slt, %xor3A_259, %lt3A_261 : vector<16xi32>
    %add3A_263 = arith.constant 16 : i32
    %add3A_264 = vector.broadcast %add3A_263 : i32 to vector<16xi32>
    %add3A_265 = arith.addi %xor3A_259, %add3A_264 : vector<16xi32>
    %select_n3A_266 = arith.select %lt3A_262, %add3A_265, %xor3A_259 : vector<16xi1>, vector<16xi32>
    %broadcast_in_dim3A_267 = vector.shape_cast %select_n3A_266 : vector<16xi32> to vector<16x1xi32>
    %gather3A_268 = vector.shape_cast %broadcast_in_dim3A_267 : vector<16x1xi32> to vector<16xi32>
    %gather3A_269 = tpu.dynamic_gather %min3A_255[%gather3A_268] in [0] : vector<16xi32>, vector<16xi32> -> vector<16xi32>
    %min3A_270 = arith.minsi %min3A_255, %gather3A_269 : vector<16xi32>
    %iota3A_271 = tpu.iota {dimensions = array<i32: 0>} : vector<16xi32>
    %xor3A_272 = arith.constant 8 : i32
    %xor3A_273 = vector.broadcast %xor3A_272 : i32 to vector<16xi32>
    %xor3A_274 = arith.xori %iota3A_271, %xor3A_273 : vector<16xi32>
    %lt3A_275 = arith.constant 0 : i32
    %lt3A_276 = vector.broadcast %lt3A_275 : i32 to vector<16xi32>
    %lt3A_277 = arith.cmpi slt, %xor3A_274, %lt3A_276 : vector<16xi32>
    %add3A_278 = arith.constant 16 : i32
    %add3A_279 = vector.broadcast %add3A_278 : i32 to vector<16xi32>
    %add3A_280 = arith.addi %xor3A_274, %add3A_279 : vector<16xi32>
    %select_n3A_281 = arith.select %lt3A_277, %add3A_280, %xor3A_274 : vector<16xi1>, vector<16xi32>
    %broadcast_in_dim3A_282 = vector.shape_cast %select_n3A_281 : vector<16xi32> to vector<16x1xi32>
    %gather3A_283 = vector.shape_cast %broadcast_in_dim3A_282 : vector<16x1xi32> to vector<16xi32>
    %gather3A_284 = tpu.dynamic_gather %min3A_270[%gather3A_283] in [0] : vector<16xi32>, vector<16xi32> -> vector<16xi32>
    %min3A_285 = arith.minsi %min3A_270, %gather3A_284 : vector<16xi32>
    %convert_element_type3A = arith.sitofp %min3A_285 : vector<16xi32> to vector<16xf32>
    %swap3A = arith.constant 0 : index
    %swap3A_286 = tpu.vector_load %arg5[%swap3A] {strides = array<i32>} : memref<16xf32, #tpu.memory_space<vmem>>, vector<16xf32>,
    %swap3A_287 = vector.shape_cast %swap3A_286 : vector<16xf32> to vector<16xf32>
    %swap3A_288 = vector.shape_cast %convert_element_type3A : vector<16xf32> to vector<16xf32>
    tpu.vector_store %arg5[%swap3A], %swap3A_288 {strides = array<i32>} : memref<16xf32, #tpu.memory_space<vmem>>, vector<16xf32>,
    %add3A_289 = arith.constant 0 : i32
    %add3A_290 = arith.addi %mul3A_2, %add3A_289 : i32
    "tpu.region"() ({
      %run_scoped3A = tpu.sem_alloc : memref<!tpu.dma_semaphore, #tpu.memory_space<semaphore_mem>>
      %dma_start3A_572 = arith.constant 0 : i32
      %dma_start3A_573 = tpu.memref_slice %arg3[%add3A_290, %dma_start3A_572] : memref<64x16xf32, #tpu.memory_space<hbm>> -> memref<1x16xf32, #tpu.memory_space<hbm>>
      %dma_start3A_574 = tpu.memref_squeeze %dma_start3A_573 : memref<1x16xf32, #tpu.memory_space<hbm>> -> memref<16xf32, #tpu.memory_space<hbm>>
      %dma_start3A_575 = arith.constant 0 : i32
      %dma_start3A_576 = tpu.memref_slice %arg3[%add3A_290, %dma_start3A_575] : memref<64x16xf32, #tpu.memory_space<hbm>> -> memref<1x16xf32, #tpu.memory_space<hbm>>
      %dma_start3A_577 = tpu.memref_squeeze %dma_start3A_576 : memref<1x16xf32, #tpu.memory_space<hbm>> -> memref<16xf32, #tpu.memory_space<hbm>>
      tpu.enqueue_dma source(%arg5 : memref<16xf32, #tpu.memory_space<vmem>>) target(%dma_start3A_577 : memref<16xf32, #tpu.memory_space<hbm>>) target_semaphore(%run_scoped3A : memref<!tpu.dma_semaphore, #tpu.memory_space<semaphore_mem>>)
      %dma_wait3A_578 = arith.constant 0 : i32
      %dma_wait3A_579 = tpu.memref_slice %arg3[%add3A_290, %dma_wait3A_578] : memref<64x16xf32, #tpu.memory_space<hbm>> -> memref<1x16xf32, #tpu.memory_space<hbm>>
      %dma_wait3A_580 = tpu.memref_squeeze %dma_wait3A_579 : memref<1x16xf32, #tpu.memory_space<hbm>> -> memref<16xf32, #tpu.memory_space<hbm>>
      %dma_wait3A_581 = arith.constant 0 : i32
      %dma_wait3A_582 = tpu.memref_slice %arg3[%add3A_290, %dma_wait3A_581] : memref<64x16xf32, #tpu.memory_space<hbm>> -> memref<1x16xf32, #tpu.memory_space<hbm>>
      %dma_wait3A_583 = tpu.memref_squeeze %dma_wait3A_582 : memref<1x16xf32, #tpu.memory_space<hbm>> -> memref<16xf32, #tpu.memory_space<hbm>>
      tpu.wait_dma2 semaphore(%run_scoped3A : memref<!tpu.dma_semaphore, #tpu.memory_space<semaphore_mem>>) src(%arg5 : memref<16xf32, #tpu.memory_space<vmem>>) dst(%dma_wait3A_583 : memref<16xf32, #tpu.memory_space<hbm>>)
      tpu.yield
    }) : () -> ()
    %add3A_291 = arith.constant 1 : i32
    %add3A_292 = arith.addi %mul3A_2, %add3A_291 : i32
    %dma_start3A_293 = arith.constant 49152 : i32
    %dma_start3A_294 = tpu.memref_slice %arg4[%dma_start3A_293] : memref<65536xf32, #tpu.memory_space<vmem>> -> memref<16384xf32, #tpu.memory_space<vmem>>
    %dma_start3A_295 = arith.constant 16384 : i32
    %dma_start3A_296 = tpu.memref_slice %arg2[%add3A_292, %dma_start3A_295] : memref<128x32768xf32, #tpu.memory_space<hbm>> -> memref<1x16384xf32, #tpu.memory_space<hbm>>
    %dma_start3A_297 = tpu.memref_squeeze %dma_start3A_296 : memref<1x16384xf32, #tpu.memory_space<hbm>> -> memref<16384xf32, #tpu.memory_space<hbm>>
    %dma_start3A_298 = arith.constant 49152 : i32
    %dma_start3A_299 = tpu.memref_slice %arg4[%dma_start3A_298] : memref<65536xf32, #tpu.memory_space<vmem>> -> memref<16384xf32, #tpu.memory_space<vmem>>
    %dma_start3A_300 = arith.constant 16384 : i32
    %dma_start3A_301 = tpu.memref_slice %arg2[%add3A_292, %dma_start3A_300] : memref<128x32768xf32, #tpu.memory_space<hbm>> -> memref<1x16384xf32, #tpu.memory_space<hbm>>
    %dma_start3A_302 = tpu.memref_squeeze %dma_start3A_301 : memref<1x16384xf32, #tpu.memory_space<hbm>> -> memref<16384xf32, #tpu.memory_space<hbm>>
    tpu.enqueue_dma source(%dma_start3A_302 : memref<16384xf32, #tpu.memory_space<hbm>>) target(%dma_start3A_299 : memref<16384xf32, #tpu.memory_space<vmem>>) target_semaphore(%arg9 : memref<!tpu.dma_semaphore, #tpu.memory_space<semaphore_mem>>)
    %dma_wait3A_303 = arith.constant 32768 : i32
    %dma_wait3A_304 = tpu.memref_slice %arg4[%dma_wait3A_303] : memref<65536xf32, #tpu.memory_space<vmem>> -> memref<16384xf32, #tpu.memory_space<vmem>>
    %dma_wait3A_305 = arith.constant 0 : i32
    %dma_wait3A_306 = tpu.memref_slice %arg2[%add3A_44, %dma_wait3A_305] : memref<128x32768xf32, #tpu.memory_space<hbm>> -> memref<1x16384xf32, #tpu.memory_space<hbm>>
    %dma_wait3A_307 = tpu.memref_squeeze %dma_wait3A_306 : memref<1x16384xf32, #tpu.memory_space<hbm>> -> memref<16384xf32, #tpu.memory_space<hbm>>
    %dma_wait3A_308 = arith.constant 32768 : i32
    %dma_wait3A_309 = tpu.memref_slice %arg4[%dma_wait3A_308] : memref<65536xf32, #tpu.memory_space<vmem>> -> memref<16384xf32, #tpu.memory_space<vmem>>
    %dma_wait3A_310 = arith.constant 0 : i32
    %dma_wait3A_311 = tpu.memref_slice %arg2[%add3A_44, %dma_wait3A_310] : memref<128x32768xf32, #tpu.memory_space<hbm>> -> memref<1x16384xf32, #tpu.memory_space<hbm>>
    %dma_wait3A_312 = tpu.memref_squeeze %dma_wait3A_311 : memref<1x16384xf32, #tpu.memory_space<hbm>> -> memref<16384xf32, #tpu.memory_space<hbm>>
    tpu.wait_dma2 semaphore(%arg8 : memref<!tpu.dma_semaphore, #tpu.memory_space<semaphore_mem>>) src(%dma_wait3A_312 : memref<16384xf32, #tpu.memory_space<hbm>>) dst(%dma_wait3A_309 : memref<16384xf32, #tpu.memory_space<vmem>>)
    %broadcast_in_dim3A_313 = arith.constant 0xFF800000 : f32
    %broadcast_in_dim3A_314 = vector.broadcast %broadcast_in_dim3A_313 : f32 to vector<16xf32>
    %broadcast_in_dim3A_315 = arith.constant 0 : i32
    %broadcast_in_dim3A_316 = vector.broadcast %broadcast_in_dim3A_315 : i32 to vector<16xi32>
    %scan3A_317 = arith.constant 0 : i32
    %scan3A_318 = arith.constant 128 : i32
    %scan3A_319 = arith.addi %scan3A_317, %scan3A_318 : i32
    %scan3A_320 = arith.constant 1 : i32
    %scan3A_321:17 = scf.for %scan3A_572 = %scan3A_317 to %scan3A_319 step %scan3A_320 iter_args(%scan3A_573 = %broadcast_in_dim3A_314, %scan3A_574 = %broadcast_in_dim3A_314, %scan3A_575 = %broadcast_in_dim3A_314, %scan3A_576 = %broadcast_in_dim3A_314, %scan3A_577 = %broadcast_in_dim3A_314, %scan3A_578 = %broadcast_in_dim3A_314, %scan3A_579 = %broadcast_in_dim3A_314, %scan3A_580 = %broadcast_in_dim3A_314, %scan3A_581 = %broadcast_in_dim3A_316, %scan3A_582 = %broadcast_in_dim3A_316, %scan3A_583 = %broadcast_in_dim3A_316, %scan3A_584 = %broadcast_in_dim3A_316, %scan3A_585 = %broadcast_in_dim3A_316, %scan3A_586 = %broadcast_in_dim3A_316, %scan3A_587 = %broadcast_in_dim3A_316, %scan3A_588 = %broadcast_in_dim3A_316, %scan3A_589 = %broadcast_in_dim3A_316) -> (vector<16xf32>, vector<16xf32>, vector<16xf32>, vector<16xf32>, vector<16xf32>, vector<16xf32>, vector<16xf32>, vector<16xf32>, vector<16xi32>, vector<16xi32>, vector<16xi32>, vector<16xi32>, vector<16xi32>, vector<16xi32>, vector<16xi32>, vector<16xi32>, vector<16xi32>)  : i32 {
      %mul3A_590 = arith.constant 128 : i32
      %mul3A_591 = arith.muli %scan3A_572, %mul3A_590 : i32
      %add3A_592 = arith.constant 32768 : i32
      %add3A_593 = arith.addi %add3A_592, %mul3A_591 : i32
      %add3A_594 = arith.constant 0 : i32
      %add3A_595 = arith.addi %add3A_593, %add3A_594 : i32
      %get3A = arith.index_cast %add3A_595 : i32 to index
      %get3A_596 = tpu.vector_load %arg4[%get3A] {strides = array<i32>} : memref<65536xf32, #tpu.memory_space<vmem>>, vector<16xf32>,
      %get3A_597 = vector.shape_cast %get3A_596 : vector<16xf32> to vector<16xf32>
      %gt3A = arith.cmpf ogt, %get3A_597, %scan3A_573 : vector<16xf32>
      %max3A_598 = arith.maximumf %scan3A_573, %get3A_597 : vector<16xf32>
      %select_n3A_599 = arith.select %gt3A, %scan3A_589, %scan3A_581 : vector<16xi1>, vector<16xi32>
      %add3A_600 = arith.constant 16 : i32
      %add3A_601 = arith.addi %add3A_593, %add3A_600 : i32
      %get3A_602 = arith.index_cast %add3A_601 : i32 to index
      %get3A_603 = tpu.vector_load %arg4[%get3A_602] {strides = array<i32>} : memref<65536xf32, #tpu.memory_space<vmem>>, vector<16xf32>,
      %get3A_604 = vector.shape_cast %get3A_603 : vector<16xf32> to vector<16xf32>
      %gt3A_605 = arith.cmpf ogt, %get3A_604, %scan3A_574 : vector<16xf32>
      %max3A_606 = arith.maximumf %scan3A_574, %get3A_604 : vector<16xf32>
      %select_n3A_607 = arith.select %gt3A_605, %scan3A_589, %scan3A_582 : vector<16xi1>, vector<16xi32>
      %add3A_608 = arith.constant 32 : i32
      %add3A_609 = arith.addi %add3A_593, %add3A_608 : i32
      %get3A_610 = arith.index_cast %add3A_609 : i32 to index
      %get3A_611 = tpu.vector_load %arg4[%get3A_610] {strides = array<i32>} : memref<65536xf32, #tpu.memory_space<vmem>>, vector<16xf32>,
      %get3A_612 = vector.shape_cast %get3A_611 : vector<16xf32> to vector<16xf32>
      %gt3A_613 = arith.cmpf ogt, %get3A_612, %scan3A_575 : vector<16xf32>
      %max3A_614 = arith.maximumf %scan3A_575, %get3A_612 : vector<16xf32>
      %select_n3A_615 = arith.select %gt3A_613, %scan3A_589, %scan3A_583 : vector<16xi1>, vector<16xi32>
      %add3A_616 = arith.constant 48 : i32
      %add3A_617 = arith.addi %add3A_593, %add3A_616 : i32
      %get3A_618 = arith.index_cast %add3A_617 : i32 to index
      %get3A_619 = tpu.vector_load %arg4[%get3A_618] {strides = array<i32>} : memref<65536xf32, #tpu.memory_space<vmem>>, vector<16xf32>,
      %get3A_620 = vector.shape_cast %get3A_619 : vector<16xf32> to vector<16xf32>
      %gt3A_621 = arith.cmpf ogt, %get3A_620, %scan3A_576 : vector<16xf32>
      %max3A_622 = arith.maximumf %scan3A_576, %get3A_620 : vector<16xf32>
      %select_n3A_623 = arith.select %gt3A_621, %scan3A_589, %scan3A_584 : vector<16xi1>, vector<16xi32>
      %add3A_624 = arith.constant 64 : i32
      %add3A_625 = arith.addi %add3A_593, %add3A_624 : i32
      %get3A_626 = arith.index_cast %add3A_625 : i32 to index
      %get3A_627 = tpu.vector_load %arg4[%get3A_626] {strides = array<i32>} : memref<65536xf32, #tpu.memory_space<vmem>>, vector<16xf32>,
      %get3A_628 = vector.shape_cast %get3A_627 : vector<16xf32> to vector<16xf32>
      %gt3A_629 = arith.cmpf ogt, %get3A_628, %scan3A_577 : vector<16xf32>
      %max3A_630 = arith.maximumf %scan3A_577, %get3A_628 : vector<16xf32>
      %select_n3A_631 = arith.select %gt3A_629, %scan3A_589, %scan3A_585 : vector<16xi1>, vector<16xi32>
      %add3A_632 = arith.constant 80 : i32
      %add3A_633 = arith.addi %add3A_593, %add3A_632 : i32
      %get3A_634 = arith.index_cast %add3A_633 : i32 to index
      %get3A_635 = tpu.vector_load %arg4[%get3A_634] {strides = array<i32>} : memref<65536xf32, #tpu.memory_space<vmem>>, vector<16xf32>,
      %get3A_636 = vector.shape_cast %get3A_635 : vector<16xf32> to vector<16xf32>
      %gt3A_637 = arith.cmpf ogt, %get3A_636, %scan3A_578 : vector<16xf32>
      %max3A_638 = arith.maximumf %scan3A_578, %get3A_636 : vector<16xf32>
      %select_n3A_639 = arith.select %gt3A_637, %scan3A_589, %scan3A_586 : vector<16xi1>, vector<16xi32>
      %add3A_640 = arith.constant 96 : i32
      %add3A_641 = arith.addi %add3A_593, %add3A_640 : i32
      %get3A_642 = arith.index_cast %add3A_641 : i32 to index
      %get3A_643 = tpu.vector_load %arg4[%get3A_642] {strides = array<i32>} : memref<65536xf32, #tpu.memory_space<vmem>>, vector<16xf32>,
      %get3A_644 = vector.shape_cast %get3A_643 : vector<16xf32> to vector<16xf32>
      %gt3A_645 = arith.cmpf ogt, %get3A_644, %scan3A_579 : vector<16xf32>
      %max3A_646 = arith.maximumf %scan3A_579, %get3A_644 : vector<16xf32>
      %select_n3A_647 = arith.select %gt3A_645, %scan3A_589, %scan3A_587 : vector<16xi1>, vector<16xi32>
      %add3A_648 = arith.constant 112 : i32
      %add3A_649 = arith.addi %add3A_593, %add3A_648 : i32
      %get3A_650 = arith.index_cast %add3A_649 : i32 to index
      %get3A_651 = tpu.vector_load %arg4[%get3A_650] {strides = array<i32>} : memref<65536xf32, #tpu.memory_space<vmem>>, vector<16xf32>,
      %get3A_652 = vector.shape_cast %get3A_651 : vector<16xf32> to vector<16xf32>
      %gt3A_653 = arith.cmpf ogt, %get3A_652, %scan3A_580 : vector<16xf32>
      %max3A_654 = arith.maximumf %scan3A_580, %get3A_652 : vector<16xf32>
      %select_n3A_655 = arith.select %gt3A_653, %scan3A_589, %scan3A_588 : vector<16xi1>, vector<16xi32>
      %add3A_656 = arith.constant 1 : i32
      %add3A_657 = vector.broadcast %add3A_656 : i32 to vector<16xi32>
      %add3A_658 = arith.addi %scan3A_589, %add3A_657 : vector<16xi32>
      scf.yield %max3A_598, %max3A_606, %max3A_614, %max3A_622, %max3A_630, %max3A_638, %max3A_646, %max3A_654, %select_n3A_599, %select_n3A_607, %select_n3A_615, %select_n3A_623, %select_n3A_631, %select_n3A_639, %select_n3A_647, %select_n3A_655, %add3A_658 : vector<16xf32>, vector<16xf32>, vector<16xf32>, vector<16xf32>, vector<16xf32>, vector<16xf32>, vector<16xf32>, vector<16xf32>, vector<16xi32>, vector<16xi32>, vector<16xi32>, vector<16xi32>, vector<16xi32>, vector<16xi32>, vector<16xi32>, vector<16xi32>, vector<16xi32>
    }
    %scan3A_322 = arith.constant 128 : i32
    %dma_wait3A_323 = arith.constant 49152 : i32
    %dma_wait3A_324 = tpu.memref_slice %arg4[%dma_wait3A_323] : memref<65536xf32, #tpu.memory_space<vmem>> -> memref<16384xf32, #tpu.memory_space<vmem>>
    %dma_wait3A_325 = arith.constant 16384 : i32
    %dma_wait3A_326 = tpu.memref_slice %arg2[%add3A_292, %dma_wait3A_325] : memref<128x32768xf32, #tpu.memory_space<hbm>> -> memref<1x16384xf32, #tpu.memory_space<hbm>>
    %dma_wait3A_327 = tpu.memref_squeeze %dma_wait3A_326 : memref<1x16384xf32, #tpu.memory_space<hbm>> -> memref<16384xf32, #tpu.memory_space<hbm>>
    %dma_wait3A_328 = arith.constant 49152 : i32
    %dma_wait3A_329 = tpu.memref_slice %arg4[%dma_wait3A_328] : memref<65536xf32, #tpu.memory_space<vmem>> -> memref<16384xf32, #tpu.memory_space<vmem>>
    %dma_wait3A_330 = arith.constant 16384 : i32
    %dma_wait3A_331 = tpu.memref_slice %arg2[%add3A_292, %dma_wait3A_330] : memref<128x32768xf32, #tpu.memory_space<hbm>> -> memref<1x16384xf32, #tpu.memory_space<hbm>>
    %dma_wait3A_332 = tpu.memref_squeeze %dma_wait3A_331 : memref<1x16384xf32, #tpu.memory_space<hbm>> -> memref<16384xf32, #tpu.memory_space<hbm>>
    tpu.wait_dma2 semaphore(%arg9 : memref<!tpu.dma_semaphore, #tpu.memory_space<semaphore_mem>>) src(%dma_wait3A_332 : memref<16384xf32, #tpu.memory_space<hbm>>) dst(%dma_wait3A_329 : memref<16384xf32, #tpu.memory_space<vmem>>)
    %scan3A_333 = arith.constant 0 : i32
    %scan3A_334 = arith.constant 128 : i32
    %scan3A_335 = arith.addi %scan3A_333, %scan3A_334 : i32
    %scan3A_336 = arith.constant 1 : i32
    %scan3A_337:17 = scf.for %scan3A_572 = %scan3A_333 to %scan3A_335 step %scan3A_336 iter_args(%scan3A_573 = %scan3A_321#0, %scan3A_574 = %scan3A_321#1, %scan3A_575 = %scan3A_321#2, %scan3A_576 = %scan3A_321#3, %scan3A_577 = %scan3A_321#4, %scan3A_578 = %scan3A_321#5, %scan3A_579 = %scan3A_321#6, %scan3A_580 = %scan3A_321#7, %scan3A_581 = %scan3A_321#8, %scan3A_582 = %scan3A_321#9, %scan3A_583 = %scan3A_321#10, %scan3A_584 = %scan3A_321#11, %scan3A_585 = %scan3A_321#12, %scan3A_586 = %scan3A_321#13, %scan3A_587 = %scan3A_321#14, %scan3A_588 = %scan3A_321#15, %scan3A_589 = %scan3A_321#16) -> (vector<16xf32>, vector<16xf32>, vector<16xf32>, vector<16xf32>, vector<16xf32>, vector<16xf32>, vector<16xf32>, vector<16xf32>, vector<16xi32>, vector<16xi32>, vector<16xi32>, vector<16xi32>, vector<16xi32>, vector<16xi32>, vector<16xi32>, vector<16xi32>, vector<16xi32>)  : i32 {
      %mul3A_590 = arith.constant 128 : i32
      %mul3A_591 = arith.muli %scan3A_572, %mul3A_590 : i32
      %add3A_592 = arith.constant 49152 : i32
      %add3A_593 = arith.addi %add3A_592, %mul3A_591 : i32
      %add3A_594 = arith.constant 0 : i32
      %add3A_595 = arith.addi %add3A_593, %add3A_594 : i32
      %get3A = arith.index_cast %add3A_595 : i32 to index
      %get3A_596 = tpu.vector_load %arg4[%get3A] {strides = array<i32>} : memref<65536xf32, #tpu.memory_space<vmem>>, vector<16xf32>,
      %get3A_597 = vector.shape_cast %get3A_596 : vector<16xf32> to vector<16xf32>
      %gt3A = arith.cmpf ogt, %get3A_597, %scan3A_573 : vector<16xf32>
      %max3A_598 = arith.maximumf %scan3A_573, %get3A_597 : vector<16xf32>
      %select_n3A_599 = arith.select %gt3A, %scan3A_589, %scan3A_581 : vector<16xi1>, vector<16xi32>
      %add3A_600 = arith.constant 16 : i32
      %add3A_601 = arith.addi %add3A_593, %add3A_600 : i32
      %get3A_602 = arith.index_cast %add3A_601 : i32 to index
      %get3A_603 = tpu.vector_load %arg4[%get3A_602] {strides = array<i32>} : memref<65536xf32, #tpu.memory_space<vmem>>, vector<16xf32>,
      %get3A_604 = vector.shape_cast %get3A_603 : vector<16xf32> to vector<16xf32>
      %gt3A_605 = arith.cmpf ogt, %get3A_604, %scan3A_574 : vector<16xf32>
      %max3A_606 = arith.maximumf %scan3A_574, %get3A_604 : vector<16xf32>
      %select_n3A_607 = arith.select %gt3A_605, %scan3A_589, %scan3A_582 : vector<16xi1>, vector<16xi32>
      %add3A_608 = arith.constant 32 : i32
      %add3A_609 = arith.addi %add3A_593, %add3A_608 : i32
      %get3A_610 = arith.index_cast %add3A_609 : i32 to index
      %get3A_611 = tpu.vector_load %arg4[%get3A_610] {strides = array<i32>} : memref<65536xf32, #tpu.memory_space<vmem>>, vector<16xf32>,
      %get3A_612 = vector.shape_cast %get3A_611 : vector<16xf32> to vector<16xf32>
      %gt3A_613 = arith.cmpf ogt, %get3A_612, %scan3A_575 : vector<16xf32>
      %max3A_614 = arith.maximumf %scan3A_575, %get3A_612 : vector<16xf32>
      %select_n3A_615 = arith.select %gt3A_613, %scan3A_589, %scan3A_583 : vector<16xi1>, vector<16xi32>
      %add3A_616 = arith.constant 48 : i32
      %add3A_617 = arith.addi %add3A_593, %add3A_616 : i32
      %get3A_618 = arith.index_cast %add3A_617 : i32 to index
      %get3A_619 = tpu.vector_load %arg4[%get3A_618] {strides = array<i32>} : memref<65536xf32, #tpu.memory_space<vmem>>, vector<16xf32>,
      %get3A_620 = vector.shape_cast %get3A_619 : vector<16xf32> to vector<16xf32>
      %gt3A_621 = arith.cmpf ogt, %get3A_620, %scan3A_576 : vector<16xf32>
      %max3A_622 = arith.maximumf %scan3A_576, %get3A_620 : vector<16xf32>
      %select_n3A_623 = arith.select %gt3A_621, %scan3A_589, %scan3A_584 : vector<16xi1>, vector<16xi32>
      %add3A_624 = arith.constant 64 : i32
      %add3A_625 = arith.addi %add3A_593, %add3A_624 : i32
      %get3A_626 = arith.index_cast %add3A_625 : i32 to index
      %get3A_627 = tpu.vector_load %arg4[%get3A_626] {strides = array<i32>} : memref<65536xf32, #tpu.memory_space<vmem>>, vector<16xf32>,
      %get3A_628 = vector.shape_cast %get3A_627 : vector<16xf32> to vector<16xf32>
      %gt3A_629 = arith.cmpf ogt, %get3A_628, %scan3A_577 : vector<16xf32>
      %max3A_630 = arith.maximumf %scan3A_577, %get3A_628 : vector<16xf32>
      %select_n3A_631 = arith.select %gt3A_629, %scan3A_589, %scan3A_585 : vector<16xi1>, vector<16xi32>
      %add3A_632 = arith.constant 80 : i32
      %add3A_633 = arith.addi %add3A_593, %add3A_632 : i32
      %get3A_634 = arith.index_cast %add3A_633 : i32 to index
      %get3A_635 = tpu.vector_load %arg4[%get3A_634] {strides = array<i32>} : memref<65536xf32, #tpu.memory_space<vmem>>, vector<16xf32>,
      %get3A_636 = vector.shape_cast %get3A_635 : vector<16xf32> to vector<16xf32>
      %gt3A_637 = arith.cmpf ogt, %get3A_636, %scan3A_578 : vector<16xf32>
      %max3A_638 = arith.maximumf %scan3A_578, %get3A_636 : vector<16xf32>
      %select_n3A_639 = arith.select %gt3A_637, %scan3A_589, %scan3A_586 : vector<16xi1>, vector<16xi32>
      %add3A_640 = arith.constant 96 : i32
      %add3A_641 = arith.addi %add3A_593, %add3A_640 : i32
      %get3A_642 = arith.index_cast %add3A_641 : i32 to index
      %get3A_643 = tpu.vector_load %arg4[%get3A_642] {strides = array<i32>} : memref<65536xf32, #tpu.memory_space<vmem>>, vector<16xf32>,
      %get3A_644 = vector.shape_cast %get3A_643 : vector<16xf32> to vector<16xf32>
      %gt3A_645 = arith.cmpf ogt, %get3A_644, %scan3A_579 : vector<16xf32>
      %max3A_646 = arith.maximumf %scan3A_579, %get3A_644 : vector<16xf32>
      %select_n3A_647 = arith.select %gt3A_645, %scan3A_589, %scan3A_587 : vector<16xi1>, vector<16xi32>
      %add3A_648 = arith.constant 112 : i32
      %add3A_649 = arith.addi %add3A_593, %add3A_648 : i32
      %get3A_650 = arith.index_cast %add3A_649 : i32 to index
      %get3A_651 = tpu.vector_load %arg4[%get3A_650] {strides = array<i32>} : memref<65536xf32, #tpu.memory_space<vmem>>, vector<16xf32>,
      %get3A_652 = vector.shape_cast %get3A_651 : vector<16xf32> to vector<16xf32>
      %gt3A_653 = arith.cmpf ogt, %get3A_652, %scan3A_580 : vector<16xf32>
      %max3A_654 = arith.maximumf %scan3A_580, %get3A_652 : vector<16xf32>
      %select_n3A_655 = arith.select %gt3A_653, %scan3A_589, %scan3A_588 : vector<16xi1>, vector<16xi32>
      %add3A_656 = arith.constant 1 : i32
      %add3A_657 = vector.broadcast %add3A_656 : i32 to vector<16xi32>
      %add3A_658 = arith.addi %scan3A_589, %add3A_657 : vector<16xi32>
      scf.yield %max3A_598, %max3A_606, %max3A_614, %max3A_622, %max3A_630, %max3A_638, %max3A_646, %max3A_654, %select_n3A_599, %select_n3A_607, %select_n3A_615, %select_n3A_623, %select_n3A_631, %select_n3A_639, %select_n3A_647, %select_n3A_655, %add3A_658 : vector<16xf32>, vector<16xf32>, vector<16xf32>, vector<16xf32>, vector<16xf32>, vector<16xf32>, vector<16xf32>, vector<16xf32>, vector<16xi32>, vector<16xi32>, vector<16xi32>, vector<16xi32>, vector<16xi32>, vector<16xi32>, vector<16xi32>, vector<16xi32>, vector<16xi32>
    }
    %scan3A_338 = arith.constant 128 : i32
    %iota3A_339 = tpu.iota {dimensions = array<i32: 0>} : vector<16xi32>
    %max3A_340 = arith.maximumf %scan3A_337#0, %scan3A_337#1 : vector<16xf32>
    %max3A_341 = arith.maximumf %max3A_340, %scan3A_337#2 : vector<16xf32>
    %max3A_342 = arith.maximumf %max3A_341, %scan3A_337#3 : vector<16xf32>
    %max3A_343 = arith.maximumf %max3A_342, %scan3A_337#4 : vector<16xf32>
    %max3A_344 = arith.maximumf %max3A_343, %scan3A_337#5 : vector<16xf32>
    %max3A_345 = arith.maximumf %max3A_344, %scan3A_337#6 : vector<16xf32>
    %max3A_346 = arith.maximumf %max3A_345, %scan3A_337#7 : vector<16xf32>
    %iota3A_347 = tpu.iota {dimensions = array<i32: 0>} : vector<16xi32>
    %xor3A_348 = arith.constant 1 : i32
    %xor3A_349 = vector.broadcast %xor3A_348 : i32 to vector<16xi32>
    %xor3A_350 = arith.xori %iota3A_347, %xor3A_349 : vector<16xi32>
    %lt3A_351 = arith.constant 0 : i32
    %lt3A_352 = vector.broadcast %lt3A_351 : i32 to vector<16xi32>
    %lt3A_353 = arith.cmpi slt, %xor3A_350, %lt3A_352 : vector<16xi32>
    %add3A_354 = arith.constant 16 : i32
    %add3A_355 = vector.broadcast %add3A_354 : i32 to vector<16xi32>
    %add3A_356 = arith.addi %xor3A_350, %add3A_355 : vector<16xi32>
    %select_n3A_357 = arith.select %lt3A_353, %add3A_356, %xor3A_350 : vector<16xi1>, vector<16xi32>
    %broadcast_in_dim3A_358 = vector.shape_cast %select_n3A_357 : vector<16xi32> to vector<16x1xi32>
    %gather3A_359 = vector.shape_cast %broadcast_in_dim3A_358 : vector<16x1xi32> to vector<16xi32>
    %gather3A_360 = tpu.dynamic_gather %max3A_346[%gather3A_359] in [0] : vector<16xf32>, vector<16xi32> -> vector<16xf32>
    %max3A_361 = arith.maximumf %max3A_346, %gather3A_360 : vector<16xf32>
    %iota3A_362 = tpu.iota {dimensions = array<i32: 0>} : vector<16xi32>
    %xor3A_363 = arith.constant 2 : i32
    %xor3A_364 = vector.broadcast %xor3A_363 : i32 to vector<16xi32>
    %xor3A_365 = arith.xori %iota3A_362, %xor3A_364 : vector<16xi32>
    %lt3A_366 = arith.constant 0 : i32
    %lt3A_367 = vector.broadcast %lt3A_366 : i32 to vector<16xi32>
    %lt3A_368 = arith.cmpi slt, %xor3A_365, %lt3A_367 : vector<16xi32>
    %add3A_369 = arith.constant 16 : i32
    %add3A_370 = vector.broadcast %add3A_369 : i32 to vector<16xi32>
    %add3A_371 = arith.addi %xor3A_365, %add3A_370 : vector<16xi32>
    %select_n3A_372 = arith.select %lt3A_368, %add3A_371, %xor3A_365 : vector<16xi1>, vector<16xi32>
    %broadcast_in_dim3A_373 = vector.shape_cast %select_n3A_372 : vector<16xi32> to vector<16x1xi32>
    %gather3A_374 = vector.shape_cast %broadcast_in_dim3A_373 : vector<16x1xi32> to vector<16xi32>
    %gather3A_375 = tpu.dynamic_gather %max3A_361[%gather3A_374] in [0] : vector<16xf32>, vector<16xi32> -> vector<16xf32>
    %max3A_376 = arith.maximumf %max3A_361, %gather3A_375 : vector<16xf32>
    %iota3A_377 = tpu.iota {dimensions = array<i32: 0>} : vector<16xi32>
    %xor3A_378 = arith.constant 4 : i32
    %xor3A_379 = vector.broadcast %xor3A_378 : i32 to vector<16xi32>
    %xor3A_380 = arith.xori %iota3A_377, %xor3A_379 : vector<16xi32>
    %lt3A_381 = arith.constant 0 : i32
    %lt3A_382 = vector.broadcast %lt3A_381 : i32 to vector<16xi32>
    %lt3A_383 = arith.cmpi slt, %xor3A_380, %lt3A_382 : vector<16xi32>
    %add3A_384 = arith.constant 16 : i32
    %add3A_385 = vector.broadcast %add3A_384 : i32 to vector<16xi32>
    %add3A_386 = arith.addi %xor3A_380, %add3A_385 : vector<16xi32>
    %select_n3A_387 = arith.select %lt3A_383, %add3A_386, %xor3A_380 : vector<16xi1>, vector<16xi32>
    %broadcast_in_dim3A_388 = vector.shape_cast %select_n3A_387 : vector<16xi32> to vector<16x1xi32>
    %gather3A_389 = vector.shape_cast %broadcast_in_dim3A_388 : vector<16x1xi32> to vector<16xi32>
    %gather3A_390 = tpu.dynamic_gather %max3A_376[%gather3A_389] in [0] : vector<16xf32>, vector<16xi32> -> vector<16xf32>
    %max3A_391 = arith.maximumf %max3A_376, %gather3A_390 : vector<16xf32>
    %iota3A_392 = tpu.iota {dimensions = array<i32: 0>} : vector<16xi32>
    %xor3A_393 = arith.constant 8 : i32
    %xor3A_394 = vector.broadcast %xor3A_393 : i32 to vector<16xi32>
    %xor3A_395 = arith.xori %iota3A_392, %xor3A_394 : vector<16xi32>
    %lt3A_396 = arith.constant 0 : i32
    %lt3A_397 = vector.broadcast %lt3A_396 : i32 to vector<16xi32>
    %lt3A_398 = arith.cmpi slt, %xor3A_395, %lt3A_397 : vector<16xi32>
    %add3A_399 = arith.constant 16 : i32
    %add3A_400 = vector.broadcast %add3A_399 : i32 to vector<16xi32>
    %add3A_401 = arith.addi %xor3A_395, %add3A_400 : vector<16xi32>
    %select_n3A_402 = arith.select %lt3A_398, %add3A_401, %xor3A_395 : vector<16xi1>, vector<16xi32>
    %broadcast_in_dim3A_403 = vector.shape_cast %select_n3A_402 : vector<16xi32> to vector<16x1xi32>
    %gather3A_404 = vector.shape_cast %broadcast_in_dim3A_403 : vector<16x1xi32> to vector<16xi32>
    %gather3A_405 = tpu.dynamic_gather %max3A_391[%gather3A_404] in [0] : vector<16xf32>, vector<16xi32> -> vector<16xf32>
    %max3A_406 = arith.maximumf %max3A_391, %gather3A_405 : vector<16xf32>
    %broadcast_in_dim3A_407 = arith.constant 1073741824 : i32
    %broadcast_in_dim3A_408 = vector.broadcast %broadcast_in_dim3A_407 : i32 to vector<16xi32>
    %shift_left3A_409 = arith.constant 7 : i32
    %shift_left3A_410 = vector.broadcast %shift_left3A_409 : i32 to vector<16xi32>
    %shift_left3A_411 = arith.shli %scan3A_337#8, %shift_left3A_410 : vector<16xi32>
    %add3A_412 = arith.constant 0 : i32
    %add3A_413 = vector.broadcast %add3A_412 : i32 to vector<16xi32>
    %add3A_414 = arith.addi %iota3A_339, %add3A_413 : vector<16xi32>
    %or3A_415 = arith.ori %shift_left3A_411, %add3A_414 : vector<16xi32>
    %eq3A_416 = arith.cmpf oeq, %scan3A_337#0, %max3A_406 : vector<16xf32>
    %jit3A_417 = arith.constant 1073741824 : i32
    %broadcast_in_dim3A_418 = vector.broadcast %jit3A_417 : i32 to vector<16xi32>
    %select_n3A_419 = arith.select %eq3A_416, %or3A_415, %broadcast_in_dim3A_418 : vector<16xi1>, vector<16xi32>
    %min3A_420 = arith.minsi %broadcast_in_dim3A_408, %select_n3A_419 : vector<16xi32>
    %shift_left3A_421 = arith.constant 7 : i32
    %shift_left3A_422 = vector.broadcast %shift_left3A_421 : i32 to vector<16xi32>
    %shift_left3A_423 = arith.shli %scan3A_337#9, %shift_left3A_422 : vector<16xi32>
    %add3A_424 = arith.constant 16 : i32
    %add3A_425 = vector.broadcast %add3A_424 : i32 to vector<16xi32>
    %add3A_426 = arith.addi %iota3A_339, %add3A_425 : vector<16xi32>
    %or3A_427 = arith.ori %shift_left3A_423, %add3A_426 : vector<16xi32>
    %eq3A_428 = arith.cmpf oeq, %scan3A_337#1, %max3A_406 : vector<16xf32>
    %jit3A_429 = arith.constant 1073741824 : i32
    %broadcast_in_dim3A_430 = vector.broadcast %jit3A_429 : i32 to vector<16xi32>
    %select_n3A_431 = arith.select %eq3A_428, %or3A_427, %broadcast_in_dim3A_430 : vector<16xi1>, vector<16xi32>
    %min3A_432 = arith.minsi %min3A_420, %select_n3A_431 : vector<16xi32>
    %shift_left3A_433 = arith.constant 7 : i32
    %shift_left3A_434 = vector.broadcast %shift_left3A_433 : i32 to vector<16xi32>
    %shift_left3A_435 = arith.shli %scan3A_337#10, %shift_left3A_434 : vector<16xi32>
    %add3A_436 = arith.constant 32 : i32
    %add3A_437 = vector.broadcast %add3A_436 : i32 to vector<16xi32>
    %add3A_438 = arith.addi %iota3A_339, %add3A_437 : vector<16xi32>
    %or3A_439 = arith.ori %shift_left3A_435, %add3A_438 : vector<16xi32>
    %eq3A_440 = arith.cmpf oeq, %scan3A_337#2, %max3A_406 : vector<16xf32>
    %jit3A_441 = arith.constant 1073741824 : i32
    %broadcast_in_dim3A_442 = vector.broadcast %jit3A_441 : i32 to vector<16xi32>
    %select_n3A_443 = arith.select %eq3A_440, %or3A_439, %broadcast_in_dim3A_442 : vector<16xi1>, vector<16xi32>
    %min3A_444 = arith.minsi %min3A_432, %select_n3A_443 : vector<16xi32>
    %shift_left3A_445 = arith.constant 7 : i32
    %shift_left3A_446 = vector.broadcast %shift_left3A_445 : i32 to vector<16xi32>
    %shift_left3A_447 = arith.shli %scan3A_337#11, %shift_left3A_446 : vector<16xi32>
    %add3A_448 = arith.constant 48 : i32
    %add3A_449 = vector.broadcast %add3A_448 : i32 to vector<16xi32>
    %add3A_450 = arith.addi %iota3A_339, %add3A_449 : vector<16xi32>
    %or3A_451 = arith.ori %shift_left3A_447, %add3A_450 : vector<16xi32>
    %eq3A_452 = arith.cmpf oeq, %scan3A_337#3, %max3A_406 : vector<16xf32>
    %jit3A_453 = arith.constant 1073741824 : i32
    %broadcast_in_dim3A_454 = vector.broadcast %jit3A_453 : i32 to vector<16xi32>
    %select_n3A_455 = arith.select %eq3A_452, %or3A_451, %broadcast_in_dim3A_454 : vector<16xi1>, vector<16xi32>
    %min3A_456 = arith.minsi %min3A_444, %select_n3A_455 : vector<16xi32>
    %shift_left3A_457 = arith.constant 7 : i32
    %shift_left3A_458 = vector.broadcast %shift_left3A_457 : i32 to vector<16xi32>
    %shift_left3A_459 = arith.shli %scan3A_337#12, %shift_left3A_458 : vector<16xi32>
    %add3A_460 = arith.constant 64 : i32
    %add3A_461 = vector.broadcast %add3A_460 : i32 to vector<16xi32>
    %add3A_462 = arith.addi %iota3A_339, %add3A_461 : vector<16xi32>
    %or3A_463 = arith.ori %shift_left3A_459, %add3A_462 : vector<16xi32>
    %eq3A_464 = arith.cmpf oeq, %scan3A_337#4, %max3A_406 : vector<16xf32>
    %jit3A_465 = arith.constant 1073741824 : i32
    %broadcast_in_dim3A_466 = vector.broadcast %jit3A_465 : i32 to vector<16xi32>
    %select_n3A_467 = arith.select %eq3A_464, %or3A_463, %broadcast_in_dim3A_466 : vector<16xi1>, vector<16xi32>
    %min3A_468 = arith.minsi %min3A_456, %select_n3A_467 : vector<16xi32>
    %shift_left3A_469 = arith.constant 7 : i32
    %shift_left3A_470 = vector.broadcast %shift_left3A_469 : i32 to vector<16xi32>
    %shift_left3A_471 = arith.shli %scan3A_337#13, %shift_left3A_470 : vector<16xi32>
    %add3A_472 = arith.constant 80 : i32
    %add3A_473 = vector.broadcast %add3A_472 : i32 to vector<16xi32>
    %add3A_474 = arith.addi %iota3A_339, %add3A_473 : vector<16xi32>
    %or3A_475 = arith.ori %shift_left3A_471, %add3A_474 : vector<16xi32>
    %eq3A_476 = arith.cmpf oeq, %scan3A_337#5, %max3A_406 : vector<16xf32>
    %jit3A_477 = arith.constant 1073741824 : i32
    %broadcast_in_dim3A_478 = vector.broadcast %jit3A_477 : i32 to vector<16xi32>
    %select_n3A_479 = arith.select %eq3A_476, %or3A_475, %broadcast_in_dim3A_478 : vector<16xi1>, vector<16xi32>
    %min3A_480 = arith.minsi %min3A_468, %select_n3A_479 : vector<16xi32>
    %shift_left3A_481 = arith.constant 7 : i32
    %shift_left3A_482 = vector.broadcast %shift_left3A_481 : i32 to vector<16xi32>
    %shift_left3A_483 = arith.shli %scan3A_337#14, %shift_left3A_482 : vector<16xi32>
    %add3A_484 = arith.constant 96 : i32
    %add3A_485 = vector.broadcast %add3A_484 : i32 to vector<16xi32>
    %add3A_486 = arith.addi %iota3A_339, %add3A_485 : vector<16xi32>
    %or3A_487 = arith.ori %shift_left3A_483, %add3A_486 : vector<16xi32>
    %eq3A_488 = arith.cmpf oeq, %scan3A_337#6, %max3A_406 : vector<16xf32>
    %jit3A_489 = arith.constant 1073741824 : i32
    %broadcast_in_dim3A_490 = vector.broadcast %jit3A_489 : i32 to vector<16xi32>
    %select_n3A_491 = arith.select %eq3A_488, %or3A_487, %broadcast_in_dim3A_490 : vector<16xi1>, vector<16xi32>
    %min3A_492 = arith.minsi %min3A_480, %select_n3A_491 : vector<16xi32>
    %shift_left3A_493 = arith.constant 7 : i32
    %shift_left3A_494 = vector.broadcast %shift_left3A_493 : i32 to vector<16xi32>
    %shift_left3A_495 = arith.shli %scan3A_337#15, %shift_left3A_494 : vector<16xi32>
    %add3A_496 = arith.constant 112 : i32
    %add3A_497 = vector.broadcast %add3A_496 : i32 to vector<16xi32>
    %add3A_498 = arith.addi %iota3A_339, %add3A_497 : vector<16xi32>
    %or3A_499 = arith.ori %shift_left3A_495, %add3A_498 : vector<16xi32>
    %eq3A_500 = arith.cmpf oeq, %scan3A_337#7, %max3A_406 : vector<16xf32>
    %jit3A_501 = arith.constant 1073741824 : i32
    %broadcast_in_dim3A_502 = vector.broadcast %jit3A_501 : i32 to vector<16xi32>
    %select_n3A_503 = arith.select %eq3A_500, %or3A_499, %broadcast_in_dim3A_502 : vector<16xi1>, vector<16xi32>
    %min3A_504 = arith.minsi %min3A_492, %select_n3A_503 : vector<16xi32>
    %iota3A_505 = tpu.iota {dimensions = array<i32: 0>} : vector<16xi32>
    %xor3A_506 = arith.constant 1 : i32
    %xor3A_507 = vector.broadcast %xor3A_506 : i32 to vector<16xi32>
    %xor3A_508 = arith.xori %iota3A_505, %xor3A_507 : vector<16xi32>
    %lt3A_509 = arith.constant 0 : i32
    %lt3A_510 = vector.broadcast %lt3A_509 : i32 to vector<16xi32>
    %lt3A_511 = arith.cmpi slt, %xor3A_508, %lt3A_510 : vector<16xi32>
    %add3A_512 = arith.constant 16 : i32
    %add3A_513 = vector.broadcast %add3A_512 : i32 to vector<16xi32>
    %add3A_514 = arith.addi %xor3A_508, %add3A_513 : vector<16xi32>
    %select_n3A_515 = arith.select %lt3A_511, %add3A_514, %xor3A_508 : vector<16xi1>, vector<16xi32>
    %broadcast_in_dim3A_516 = vector.shape_cast %select_n3A_515 : vector<16xi32> to vector<16x1xi32>
    %gather3A_517 = vector.shape_cast %broadcast_in_dim3A_516 : vector<16x1xi32> to vector<16xi32>
    %gather3A_518 = tpu.dynamic_gather %min3A_504[%gather3A_517] in [0] : vector<16xi32>, vector<16xi32> -> vector<16xi32>
    %min3A_519 = arith.minsi %min3A_504, %gather3A_518 : vector<16xi32>
    %iota3A_520 = tpu.iota {dimensions = array<i32: 0>} : vector<16xi32>
    %xor3A_521 = arith.constant 2 : i32
    %xor3A_522 = vector.broadcast %xor3A_521 : i32 to vector<16xi32>
    %xor3A_523 = arith.xori %iota3A_520, %xor3A_522 : vector<16xi32>
    %lt3A_524 = arith.constant 0 : i32
    %lt3A_525 = vector.broadcast %lt3A_524 : i32 to vector<16xi32>
    %lt3A_526 = arith.cmpi slt, %xor3A_523, %lt3A_525 : vector<16xi32>
    %add3A_527 = arith.constant 16 : i32
    %add3A_528 = vector.broadcast %add3A_527 : i32 to vector<16xi32>
    %add3A_529 = arith.addi %xor3A_523, %add3A_528 : vector<16xi32>
    %select_n3A_530 = arith.select %lt3A_526, %add3A_529, %xor3A_523 : vector<16xi1>, vector<16xi32>
    %broadcast_in_dim3A_531 = vector.shape_cast %select_n3A_530 : vector<16xi32> to vector<16x1xi32>
    %gather3A_532 = vector.shape_cast %broadcast_in_dim3A_531 : vector<16x1xi32> to vector<16xi32>
    %gather3A_533 = tpu.dynamic_gather %min3A_519[%gather3A_532] in [0] : vector<16xi32>, vector<16xi32> -> vector<16xi32>
    %min3A_534 = arith.minsi %min3A_519, %gather3A_533 : vector<16xi32>
    %iota3A_535 = tpu.iota {dimensions = array<i32: 0>} : vector<16xi32>
    %xor3A_536 = arith.constant 4 : i32
    %xor3A_537 = vector.broadcast %xor3A_536 : i32 to vector<16xi32>
    %xor3A_538 = arith.xori %iota3A_535, %xor3A_537 : vector<16xi32>
    %lt3A_539 = arith.constant 0 : i32
    %lt3A_540 = vector.broadcast %lt3A_539 : i32 to vector<16xi32>
    %lt3A_541 = arith.cmpi slt, %xor3A_538, %lt3A_540 : vector<16xi32>
    %add3A_542 = arith.constant 16 : i32
    %add3A_543 = vector.broadcast %add3A_542 : i32 to vector<16xi32>
    %add3A_544 = arith.addi %xor3A_538, %add3A_543 : vector<16xi32>
    %select_n3A_545 = arith.select %lt3A_541, %add3A_544, %xor3A_538 : vector<16xi1>, vector<16xi32>
    %broadcast_in_dim3A_546 = vector.shape_cast %select_n3A_545 : vector<16xi32> to vector<16x1xi32>
    %gather3A_547 = vector.shape_cast %broadcast_in_dim3A_546 : vector<16x1xi32> to vector<16xi32>
    %gather3A_548 = tpu.dynamic_gather %min3A_534[%gather3A_547] in [0] : vector<16xi32>, vector<16xi32> -> vector<16xi32>
    %min3A_549 = arith.minsi %min3A_534, %gather3A_548 : vector<16xi32>
    %iota3A_550 = tpu.iota {dimensions = array<i32: 0>} : vector<16xi32>
    %xor3A_551 = arith.constant 8 : i32
    %xor3A_552 = vector.broadcast %xor3A_551 : i32 to vector<16xi32>
    %xor3A_553 = arith.xori %iota3A_550, %xor3A_552 : vector<16xi32>
    %lt3A_554 = arith.constant 0 : i32
    %lt3A_555 = vector.broadcast %lt3A_554 : i32 to vector<16xi32>
    %lt3A_556 = arith.cmpi slt, %xor3A_553, %lt3A_555 : vector<16xi32>
    %add3A_557 = arith.constant 16 : i32
    %add3A_558 = vector.broadcast %add3A_557 : i32 to vector<16xi32>
    %add3A_559 = arith.addi %xor3A_553, %add3A_558 : vector<16xi32>
    %select_n3A_560 = arith.select %lt3A_556, %add3A_559, %xor3A_553 : vector<16xi1>, vector<16xi32>
    %broadcast_in_dim3A_561 = vector.shape_cast %select_n3A_560 : vector<16xi32> to vector<16x1xi32>
    %gather3A_562 = vector.shape_cast %broadcast_in_dim3A_561 : vector<16x1xi32> to vector<16xi32>
    %gather3A_563 = tpu.dynamic_gather %min3A_549[%gather3A_562] in [0] : vector<16xi32>, vector<16xi32> -> vector<16xi32>
    %min3A_564 = arith.minsi %min3A_549, %gather3A_563 : vector<16xi32>
    %convert_element_type3A_565 = arith.sitofp %min3A_564 : vector<16xi32> to vector<16xf32>
    %swap3A_566 = arith.constant 0 : index
    %swap3A_567 = tpu.vector_load %arg5[%swap3A_566] {strides = array<i32>} : memref<16xf32, #tpu.memory_space<vmem>>, vector<16xf32>,
    %swap3A_568 = vector.shape_cast %swap3A_567 : vector<16xf32> to vector<16xf32>
    %swap3A_569 = vector.shape_cast %convert_element_type3A_565 : vector<16xf32> to vector<16xf32>
    tpu.vector_store %arg5[%swap3A_566], %swap3A_569 {strides = array<i32>} : memref<16xf32, #tpu.memory_space<vmem>>, vector<16xf32>,
    %add3A_570 = arith.constant 1 : i32
    %add3A_571 = arith.addi %mul3A_2, %add3A_570 : i32
    "tpu.region"() ({
      %run_scoped3A = tpu.sem_alloc : memref<!tpu.dma_semaphore, #tpu.memory_space<semaphore_mem>>
      %dma_start3A_572 = arith.constant 0 : i32
      %dma_start3A_573 = tpu.memref_slice %arg3[%add3A_571, %dma_start3A_572] : memref<64x16xf32, #tpu.memory_space<hbm>> -> memref<1x16xf32, #tpu.memory_space<hbm>>
      %dma_start3A_574 = tpu.memref_squeeze %dma_start3A_573 : memref<1x16xf32, #tpu.memory_space<hbm>> -> memref<16xf32, #tpu.memory_space<hbm>>
      %dma_start3A_575 = arith.constant 0 : i32
      %dma_start3A_576 = tpu.memref_slice %arg3[%add3A_571, %dma_start3A_575] : memref<64x16xf32, #tpu.memory_space<hbm>> -> memref<1x16xf32, #tpu.memory_space<hbm>>
      %dma_start3A_577 = tpu.memref_squeeze %dma_start3A_576 : memref<1x16xf32, #tpu.memory_space<hbm>> -> memref<16xf32, #tpu.memory_space<hbm>>
      tpu.enqueue_dma source(%arg5 : memref<16xf32, #tpu.memory_space<vmem>>) target(%dma_start3A_577 : memref<16xf32, #tpu.memory_space<hbm>>) target_semaphore(%run_scoped3A : memref<!tpu.dma_semaphore, #tpu.memory_space<semaphore_mem>>)
      %dma_wait3A_578 = arith.constant 0 : i32
      %dma_wait3A_579 = tpu.memref_slice %arg3[%add3A_571, %dma_wait3A_578] : memref<64x16xf32, #tpu.memory_space<hbm>> -> memref<1x16xf32, #tpu.memory_space<hbm>>
      %dma_wait3A_580 = tpu.memref_squeeze %dma_wait3A_579 : memref<1x16xf32, #tpu.memory_space<hbm>> -> memref<16xf32, #tpu.memory_space<hbm>>
      %dma_wait3A_581 = arith.constant 0 : i32
      %dma_wait3A_582 = tpu.memref_slice %arg3[%add3A_571, %dma_wait3A_581] : memref<64x16xf32, #tpu.memory_space<hbm>> -> memref<1x16xf32, #tpu.memory_space<hbm>>
      %dma_wait3A_583 = tpu.memref_squeeze %dma_wait3A_582 : memref<1x16xf32, #tpu.memory_space<hbm>> -> memref<16xf32, #tpu.memory_space<hbm>>
      tpu.wait_dma2 semaphore(%run_scoped3A : memref<!tpu.dma_semaphore, #tpu.memory_space<semaphore_mem>>) src(%arg5 : memref<16xf32, #tpu.memory_space<vmem>>) dst(%dma_wait3A_583 : memref<16xf32, #tpu.memory_space<hbm>>)
      tpu.yield
    }) : () -> ()
    return
  }
}

module attributes {stable_mosaic.version = 14 : i64} {
  func.func @_tc_body(%arg0: i32, %arg1: memref<16x32768xf32, #tpu.memory_space<vmem>>, %arg2: memref<16x128xf32, #tpu.memory_space<vmem>>) attributes {dimension_semantics = [#tpu.dimension_semantics<arbitrary>], iteration_bounds = array<i64: 4>, scalar_prefetch = 0 : i64, scratch_operands = 0 : i64, tpu.core_type = #tpu.core_type<tc>, window_params = [{transform_indices = @transform_0, window_bounds = array<i64: 16, 32768>}, {transform_indices = @transform_1, window_bounds = array<i64: 16, 128>}]} {
    %broadcast_in_dim3A = arith.constant 0xFF800000 : f32
    %broadcast_in_dim3A_0 = vector.broadcast %broadcast_in_dim3A : f32 to vector<16x128xf32>
    %broadcast_in_dim3A_1 = arith.constant 0 : i32
    %broadcast_in_dim3A_2 = vector.broadcast %broadcast_in_dim3A_1 : i32 to vector<16x128xi32>
    %scan3A = arith.constant 0 : i32
    %scan3A_3 = arith.constant 32 : i32
    %scan3A_4 = arith.addi %scan3A, %scan3A_3 : i32
    %scan3A_5 = arith.constant 1 : i32
    %scan3A_6:17 = scf.for %scan3A_144 = %scan3A to %scan3A_4 step %scan3A_5 iter_args(%scan3A_145 = %broadcast_in_dim3A_0, %scan3A_146 = %broadcast_in_dim3A_0, %scan3A_147 = %broadcast_in_dim3A_0, %scan3A_148 = %broadcast_in_dim3A_0, %scan3A_149 = %broadcast_in_dim3A_0, %scan3A_150 = %broadcast_in_dim3A_0, %scan3A_151 = %broadcast_in_dim3A_0, %scan3A_152 = %broadcast_in_dim3A_0, %scan3A_153 = %broadcast_in_dim3A_2, %scan3A_154 = %broadcast_in_dim3A_2, %scan3A_155 = %broadcast_in_dim3A_2, %scan3A_156 = %broadcast_in_dim3A_2, %scan3A_157 = %broadcast_in_dim3A_2, %scan3A_158 = %broadcast_in_dim3A_2, %scan3A_159 = %broadcast_in_dim3A_2, %scan3A_160 = %broadcast_in_dim3A_2, %scan3A_161 = %broadcast_in_dim3A_2) -> (vector<16x128xf32>, vector<16x128xf32>, vector<16x128xf32>, vector<16x128xf32>, vector<16x128xf32>, vector<16x128xf32>, vector<16x128xf32>, vector<16x128xf32>, vector<16x128xi32>, vector<16x128xi32>, vector<16x128xi32>, vector<16x128xi32>, vector<16x128xi32>, vector<16x128xi32>, vector<16x128xi32>, vector<16x128xi32>, vector<16x128xi32>)  : i32 {
      %mul3A_162 = arith.constant 8 : i32
      %mul3A_163 = arith.muli %scan3A_144, %mul3A_162 : i32
      %add3A_164 = arith.constant 0 : i32
      %add3A_165 = arith.addi %mul3A_163, %add3A_164 : i32
      %mul3A_166 = arith.constant 128 : i32
      %mul3A_167 = arith.muli %add3A_165, %mul3A_166 : i32
      %get3A = arith.constant 0 : index
      %get3A_168 = arith.index_cast %mul3A_167 : i32 to index
      %get3A_169 = vector.load %arg1[%get3A, %get3A_168] : memref<16x32768xf32, #tpu.memory_space<vmem>>, vector<16x128xf32>
      %gt3A = arith.cmpf ogt, %get3A_169, %scan3A_145 : vector<16x128xf32>
      %max3A_170 = arith.maximumf %scan3A_145, %get3A_169 : vector<16x128xf32>
      %select_n3A_171 = arith.select %gt3A, %scan3A_161, %scan3A_153 : vector<16x128xi1>, vector<16x128xi32>
      %mul3A_172 = arith.constant 8 : i32
      %mul3A_173 = arith.muli %scan3A_144, %mul3A_172 : i32
      %add3A_174 = arith.constant 1 : i32
      %add3A_175 = arith.addi %mul3A_173, %add3A_174 : i32
      %mul3A_176 = arith.constant 128 : i32
      %mul3A_177 = arith.muli %add3A_175, %mul3A_176 : i32
      %get3A_178 = arith.constant 0 : index
      %get3A_179 = arith.index_cast %mul3A_177 : i32 to index
      %get3A_180 = vector.load %arg1[%get3A_178, %get3A_179] : memref<16x32768xf32, #tpu.memory_space<vmem>>, vector<16x128xf32>
      %gt3A_181 = arith.cmpf ogt, %get3A_180, %scan3A_146 : vector<16x128xf32>
      %max3A_182 = arith.maximumf %scan3A_146, %get3A_180 : vector<16x128xf32>
      %select_n3A_183 = arith.select %gt3A_181, %scan3A_161, %scan3A_154 : vector<16x128xi1>, vector<16x128xi32>
      %mul3A_184 = arith.constant 8 : i32
      %mul3A_185 = arith.muli %scan3A_144, %mul3A_184 : i32
      %add3A_186 = arith.constant 2 : i32
      %add3A_187 = arith.addi %mul3A_185, %add3A_186 : i32
      %mul3A_188 = arith.constant 128 : i32
      %mul3A_189 = arith.muli %add3A_187, %mul3A_188 : i32
      %get3A_190 = arith.constant 0 : index
      %get3A_191 = arith.index_cast %mul3A_189 : i32 to index
      %get3A_192 = vector.load %arg1[%get3A_190, %get3A_191] : memref<16x32768xf32, #tpu.memory_space<vmem>>, vector<16x128xf32>
      %gt3A_193 = arith.cmpf ogt, %get3A_192, %scan3A_147 : vector<16x128xf32>
      %max3A_194 = arith.maximumf %scan3A_147, %get3A_192 : vector<16x128xf32>
      %select_n3A_195 = arith.select %gt3A_193, %scan3A_161, %scan3A_155 : vector<16x128xi1>, vector<16x128xi32>
      %mul3A_196 = arith.constant 8 : i32
      %mul3A_197 = arith.muli %scan3A_144, %mul3A_196 : i32
      %add3A_198 = arith.constant 3 : i32
      %add3A_199 = arith.addi %mul3A_197, %add3A_198 : i32
      %mul3A_200 = arith.constant 128 : i32
      %mul3A_201 = arith.muli %add3A_199, %mul3A_200 : i32
      %get3A_202 = arith.constant 0 : index
      %get3A_203 = arith.index_cast %mul3A_201 : i32 to index
      %get3A_204 = vector.load %arg1[%get3A_202, %get3A_203] : memref<16x32768xf32, #tpu.memory_space<vmem>>, vector<16x128xf32>
      %gt3A_205 = arith.cmpf ogt, %get3A_204, %scan3A_148 : vector<16x128xf32>
      %max3A_206 = arith.maximumf %scan3A_148, %get3A_204 : vector<16x128xf32>
      %select_n3A_207 = arith.select %gt3A_205, %scan3A_161, %scan3A_156 : vector<16x128xi1>, vector<16x128xi32>
      %mul3A_208 = arith.constant 8 : i32
      %mul3A_209 = arith.muli %scan3A_144, %mul3A_208 : i32
      %add3A_210 = arith.constant 4 : i32
      %add3A_211 = arith.addi %mul3A_209, %add3A_210 : i32
      %mul3A_212 = arith.constant 128 : i32
      %mul3A_213 = arith.muli %add3A_211, %mul3A_212 : i32
      %get3A_214 = arith.constant 0 : index
      %get3A_215 = arith.index_cast %mul3A_213 : i32 to index
      %get3A_216 = vector.load %arg1[%get3A_214, %get3A_215] : memref<16x32768xf32, #tpu.memory_space<vmem>>, vector<16x128xf32>
      %gt3A_217 = arith.cmpf ogt, %get3A_216, %scan3A_149 : vector<16x128xf32>
      %max3A_218 = arith.maximumf %scan3A_149, %get3A_216 : vector<16x128xf32>
      %select_n3A_219 = arith.select %gt3A_217, %scan3A_161, %scan3A_157 : vector<16x128xi1>, vector<16x128xi32>
      %mul3A_220 = arith.constant 8 : i32
      %mul3A_221 = arith.muli %scan3A_144, %mul3A_220 : i32
      %add3A_222 = arith.constant 5 : i32
      %add3A_223 = arith.addi %mul3A_221, %add3A_222 : i32
      %mul3A_224 = arith.constant 128 : i32
      %mul3A_225 = arith.muli %add3A_223, %mul3A_224 : i32
      %get3A_226 = arith.constant 0 : index
      %get3A_227 = arith.index_cast %mul3A_225 : i32 to index
      %get3A_228 = vector.load %arg1[%get3A_226, %get3A_227] : memref<16x32768xf32, #tpu.memory_space<vmem>>, vector<16x128xf32>
      %gt3A_229 = arith.cmpf ogt, %get3A_228, %scan3A_150 : vector<16x128xf32>
      %max3A_230 = arith.maximumf %scan3A_150, %get3A_228 : vector<16x128xf32>
      %select_n3A_231 = arith.select %gt3A_229, %scan3A_161, %scan3A_158 : vector<16x128xi1>, vector<16x128xi32>
      %mul3A_232 = arith.constant 8 : i32
      %mul3A_233 = arith.muli %scan3A_144, %mul3A_232 : i32
      %add3A_234 = arith.constant 6 : i32
      %add3A_235 = arith.addi %mul3A_233, %add3A_234 : i32
      %mul3A_236 = arith.constant 128 : i32
      %mul3A_237 = arith.muli %add3A_235, %mul3A_236 : i32
      %get3A_238 = arith.constant 0 : index
      %get3A_239 = arith.index_cast %mul3A_237 : i32 to index
      %get3A_240 = vector.load %arg1[%get3A_238, %get3A_239] : memref<16x32768xf32, #tpu.memory_space<vmem>>, vector<16x128xf32>
      %gt3A_241 = arith.cmpf ogt, %get3A_240, %scan3A_151 : vector<16x128xf32>
      %max3A_242 = arith.maximumf %scan3A_151, %get3A_240 : vector<16x128xf32>
      %select_n3A_243 = arith.select %gt3A_241, %scan3A_161, %scan3A_159 : vector<16x128xi1>, vector<16x128xi32>
      %mul3A_244 = arith.constant 8 : i32
      %mul3A_245 = arith.muli %scan3A_144, %mul3A_244 : i32
      %add3A_246 = arith.constant 7 : i32
      %add3A_247 = arith.addi %mul3A_245, %add3A_246 : i32
      %mul3A_248 = arith.constant 128 : i32
      %mul3A_249 = arith.muli %add3A_247, %mul3A_248 : i32
      %get3A_250 = arith.constant 0 : index
      %get3A_251 = arith.index_cast %mul3A_249 : i32 to index
      %get3A_252 = vector.load %arg1[%get3A_250, %get3A_251] : memref<16x32768xf32, #tpu.memory_space<vmem>>, vector<16x128xf32>
      %gt3A_253 = arith.cmpf ogt, %get3A_252, %scan3A_152 : vector<16x128xf32>
      %max3A_254 = arith.maximumf %scan3A_152, %get3A_252 : vector<16x128xf32>
      %select_n3A_255 = arith.select %gt3A_253, %scan3A_161, %scan3A_160 : vector<16x128xi1>, vector<16x128xi32>
      %add3A_256 = arith.constant 1 : i32
      %add3A_257 = vector.broadcast %add3A_256 : i32 to vector<16x128xi32>
      %add3A_258 = arith.addi %scan3A_161, %add3A_257 : vector<16x128xi32>
      scf.yield %max3A_170, %max3A_182, %max3A_194, %max3A_206, %max3A_218, %max3A_230, %max3A_242, %max3A_254, %select_n3A_171, %select_n3A_183, %select_n3A_195, %select_n3A_207, %select_n3A_219, %select_n3A_231, %select_n3A_243, %select_n3A_255, %add3A_258 : vector<16x128xf32>, vector<16x128xf32>, vector<16x128xf32>, vector<16x128xf32>, vector<16x128xf32>, vector<16x128xf32>, vector<16x128xf32>, vector<16x128xf32>, vector<16x128xi32>, vector<16x128xi32>, vector<16x128xi32>, vector<16x128xi32>, vector<16x128xi32>, vector<16x128xi32>, vector<16x128xi32>, vector<16x128xi32>, vector<16x128xi32>
    }
    %scan3A_7 = arith.constant 32 : i32
    %max3A = arith.maximumf %scan3A_6#0, %scan3A_6#1 : vector<16x128xf32>
    %max3A_8 = arith.maximumf %max3A, %scan3A_6#2 : vector<16x128xf32>
    %max3A_9 = arith.maximumf %max3A_8, %scan3A_6#3 : vector<16x128xf32>
    %max3A_10 = arith.maximumf %max3A_9, %scan3A_6#4 : vector<16x128xf32>
    %max3A_11 = arith.maximumf %max3A_10, %scan3A_6#5 : vector<16x128xf32>
    %max3A_12 = arith.maximumf %max3A_11, %scan3A_6#6 : vector<16x128xf32>
    %max3A_13 = arith.maximumf %max3A_12, %scan3A_6#7 : vector<16x128xf32>
    %reduce_max3A = arith.constant dense<0xFF800000> : vector<16xf32>
    %reduce_max3A_14 = vector.multi_reduction <maximumf>, %max3A_13, %reduce_max3A [1] : vector<16x128xf32> to vector<16xf32>
    %broadcast_in_dim3A_15 = vector.shape_cast %reduce_max3A_14 : vector<16xf32> to vector<16x1xf32>
    %iota3A = tpu.iota {dimensions = array<i32: 1>} : vector<16x128xi32>
    %broadcast_in_dim3A_16 = arith.constant 1073741824 : i32
    %broadcast_in_dim3A_17 = vector.broadcast %broadcast_in_dim3A_16 : i32 to vector<16x128xi32>
    %mul3A = arith.constant 8 : i32
    %mul3A_18 = vector.broadcast %mul3A : i32 to vector<16x128xi32>
    %mul3A_19 = arith.muli %scan3A_6#8, %mul3A_18 : vector<16x128xi32>
    %add3A = arith.constant 0 : i32
    %add3A_20 = vector.broadcast %add3A : i32 to vector<16x128xi32>
    %add3A_21 = arith.addi %mul3A_19, %add3A_20 : vector<16x128xi32>
    %shift_left3A = arith.constant 7 : i32
    %shift_left3A_22 = vector.broadcast %shift_left3A : i32 to vector<16x128xi32>
    %shift_left3A_23 = arith.shli %add3A_21, %shift_left3A_22 : vector<16x128xi32>
    %or3A = arith.ori %shift_left3A_23, %iota3A : vector<16x128xi32>
    %eq3A = vector.broadcast %broadcast_in_dim3A_15 : vector<16x1xf32> to vector<16x128xf32>
    %eq3A_24 = arith.cmpf oeq, %scan3A_6#0, %eq3A : vector<16x128xf32>
    %jit3A = arith.constant 1073741824 : i32
    %broadcast_in_dim3A_25 = vector.broadcast %jit3A : i32 to vector<16x128xi32>
    %select_n3A = arith.select %eq3A_24, %or3A, %broadcast_in_dim3A_25 : vector<16x128xi1>, vector<16x128xi32>
    %min3A = arith.minsi %broadcast_in_dim3A_17, %select_n3A : vector<16x128xi32>
    %mul3A_26 = arith.constant 8 : i32
    %mul3A_27 = vector.broadcast %mul3A_26 : i32 to vector<16x128xi32>
    %mul3A_28 = arith.muli %scan3A_6#9, %mul3A_27 : vector<16x128xi32>
    %add3A_29 = arith.constant 1 : i32
    %add3A_30 = vector.broadcast %add3A_29 : i32 to vector<16x128xi32>
    %add3A_31 = arith.addi %mul3A_28, %add3A_30 : vector<16x128xi32>
    %shift_left3A_32 = arith.constant 7 : i32
    %shift_left3A_33 = vector.broadcast %shift_left3A_32 : i32 to vector<16x128xi32>
    %shift_left3A_34 = arith.shli %add3A_31, %shift_left3A_33 : vector<16x128xi32>
    %or3A_35 = arith.ori %shift_left3A_34, %iota3A : vector<16x128xi32>
    %eq3A_36 = vector.broadcast %broadcast_in_dim3A_15 : vector<16x1xf32> to vector<16x128xf32>
    %eq3A_37 = arith.cmpf oeq, %scan3A_6#1, %eq3A_36 : vector<16x128xf32>
    %jit3A_38 = arith.constant 1073741824 : i32
    %broadcast_in_dim3A_39 = vector.broadcast %jit3A_38 : i32 to vector<16x128xi32>
    %select_n3A_40 = arith.select %eq3A_37, %or3A_35, %broadcast_in_dim3A_39 : vector<16x128xi1>, vector<16x128xi32>
    %min3A_41 = arith.minsi %min3A, %select_n3A_40 : vector<16x128xi32>
    %mul3A_42 = arith.constant 8 : i32
    %mul3A_43 = vector.broadcast %mul3A_42 : i32 to vector<16x128xi32>
    %mul3A_44 = arith.muli %scan3A_6#10, %mul3A_43 : vector<16x128xi32>
    %add3A_45 = arith.constant 2 : i32
    %add3A_46 = vector.broadcast %add3A_45 : i32 to vector<16x128xi32>
    %add3A_47 = arith.addi %mul3A_44, %add3A_46 : vector<16x128xi32>
    %shift_left3A_48 = arith.constant 7 : i32
    %shift_left3A_49 = vector.broadcast %shift_left3A_48 : i32 to vector<16x128xi32>
    %shift_left3A_50 = arith.shli %add3A_47, %shift_left3A_49 : vector<16x128xi32>
    %or3A_51 = arith.ori %shift_left3A_50, %iota3A : vector<16x128xi32>
    %eq3A_52 = vector.broadcast %broadcast_in_dim3A_15 : vector<16x1xf32> to vector<16x128xf32>
    %eq3A_53 = arith.cmpf oeq, %scan3A_6#2, %eq3A_52 : vector<16x128xf32>
    %jit3A_54 = arith.constant 1073741824 : i32
    %broadcast_in_dim3A_55 = vector.broadcast %jit3A_54 : i32 to vector<16x128xi32>
    %select_n3A_56 = arith.select %eq3A_53, %or3A_51, %broadcast_in_dim3A_55 : vector<16x128xi1>, vector<16x128xi32>
    %min3A_57 = arith.minsi %min3A_41, %select_n3A_56 : vector<16x128xi32>
    %mul3A_58 = arith.constant 8 : i32
    %mul3A_59 = vector.broadcast %mul3A_58 : i32 to vector<16x128xi32>
    %mul3A_60 = arith.muli %scan3A_6#11, %mul3A_59 : vector<16x128xi32>
    %add3A_61 = arith.constant 3 : i32
    %add3A_62 = vector.broadcast %add3A_61 : i32 to vector<16x128xi32>
    %add3A_63 = arith.addi %mul3A_60, %add3A_62 : vector<16x128xi32>
    %shift_left3A_64 = arith.constant 7 : i32
    %shift_left3A_65 = vector.broadcast %shift_left3A_64 : i32 to vector<16x128xi32>
    %shift_left3A_66 = arith.shli %add3A_63, %shift_left3A_65 : vector<16x128xi32>
    %or3A_67 = arith.ori %shift_left3A_66, %iota3A : vector<16x128xi32>
    %eq3A_68 = vector.broadcast %broadcast_in_dim3A_15 : vector<16x1xf32> to vector<16x128xf32>
    %eq3A_69 = arith.cmpf oeq, %scan3A_6#3, %eq3A_68 : vector<16x128xf32>
    %jit3A_70 = arith.constant 1073741824 : i32
    %broadcast_in_dim3A_71 = vector.broadcast %jit3A_70 : i32 to vector<16x128xi32>
    %select_n3A_72 = arith.select %eq3A_69, %or3A_67, %broadcast_in_dim3A_71 : vector<16x128xi1>, vector<16x128xi32>
    %min3A_73 = arith.minsi %min3A_57, %select_n3A_72 : vector<16x128xi32>
    %mul3A_74 = arith.constant 8 : i32
    %mul3A_75 = vector.broadcast %mul3A_74 : i32 to vector<16x128xi32>
    %mul3A_76 = arith.muli %scan3A_6#12, %mul3A_75 : vector<16x128xi32>
    %add3A_77 = arith.constant 4 : i32
    %add3A_78 = vector.broadcast %add3A_77 : i32 to vector<16x128xi32>
    %add3A_79 = arith.addi %mul3A_76, %add3A_78 : vector<16x128xi32>
    %shift_left3A_80 = arith.constant 7 : i32
    %shift_left3A_81 = vector.broadcast %shift_left3A_80 : i32 to vector<16x128xi32>
    %shift_left3A_82 = arith.shli %add3A_79, %shift_left3A_81 : vector<16x128xi32>
    %or3A_83 = arith.ori %shift_left3A_82, %iota3A : vector<16x128xi32>
    %eq3A_84 = vector.broadcast %broadcast_in_dim3A_15 : vector<16x1xf32> to vector<16x128xf32>
    %eq3A_85 = arith.cmpf oeq, %scan3A_6#4, %eq3A_84 : vector<16x128xf32>
    %jit3A_86 = arith.constant 1073741824 : i32
    %broadcast_in_dim3A_87 = vector.broadcast %jit3A_86 : i32 to vector<16x128xi32>
    %select_n3A_88 = arith.select %eq3A_85, %or3A_83, %broadcast_in_dim3A_87 : vector<16x128xi1>, vector<16x128xi32>
    %min3A_89 = arith.minsi %min3A_73, %select_n3A_88 : vector<16x128xi32>
    %mul3A_90 = arith.constant 8 : i32
    %mul3A_91 = vector.broadcast %mul3A_90 : i32 to vector<16x128xi32>
    %mul3A_92 = arith.muli %scan3A_6#13, %mul3A_91 : vector<16x128xi32>
    %add3A_93 = arith.constant 5 : i32
    %add3A_94 = vector.broadcast %add3A_93 : i32 to vector<16x128xi32>
    %add3A_95 = arith.addi %mul3A_92, %add3A_94 : vector<16x128xi32>
    %shift_left3A_96 = arith.constant 7 : i32
    %shift_left3A_97 = vector.broadcast %shift_left3A_96 : i32 to vector<16x128xi32>
    %shift_left3A_98 = arith.shli %add3A_95, %shift_left3A_97 : vector<16x128xi32>
    %or3A_99 = arith.ori %shift_left3A_98, %iota3A : vector<16x128xi32>
    %eq3A_100 = vector.broadcast %broadcast_in_dim3A_15 : vector<16x1xf32> to vector<16x128xf32>
    %eq3A_101 = arith.cmpf oeq, %scan3A_6#5, %eq3A_100 : vector<16x128xf32>
    %jit3A_102 = arith.constant 1073741824 : i32
    %broadcast_in_dim3A_103 = vector.broadcast %jit3A_102 : i32 to vector<16x128xi32>
    %select_n3A_104 = arith.select %eq3A_101, %or3A_99, %broadcast_in_dim3A_103 : vector<16x128xi1>, vector<16x128xi32>
    %min3A_105 = arith.minsi %min3A_89, %select_n3A_104 : vector<16x128xi32>
    %mul3A_106 = arith.constant 8 : i32
    %mul3A_107 = vector.broadcast %mul3A_106 : i32 to vector<16x128xi32>
    %mul3A_108 = arith.muli %scan3A_6#14, %mul3A_107 : vector<16x128xi32>
    %add3A_109 = arith.constant 6 : i32
    %add3A_110 = vector.broadcast %add3A_109 : i32 to vector<16x128xi32>
    %add3A_111 = arith.addi %mul3A_108, %add3A_110 : vector<16x128xi32>
    %shift_left3A_112 = arith.constant 7 : i32
    %shift_left3A_113 = vector.broadcast %shift_left3A_112 : i32 to vector<16x128xi32>
    %shift_left3A_114 = arith.shli %add3A_111, %shift_left3A_113 : vector<16x128xi32>
    %or3A_115 = arith.ori %shift_left3A_114, %iota3A : vector<16x128xi32>
    %eq3A_116 = vector.broadcast %broadcast_in_dim3A_15 : vector<16x1xf32> to vector<16x128xf32>
    %eq3A_117 = arith.cmpf oeq, %scan3A_6#6, %eq3A_116 : vector<16x128xf32>
    %jit3A_118 = arith.constant 1073741824 : i32
    %broadcast_in_dim3A_119 = vector.broadcast %jit3A_118 : i32 to vector<16x128xi32>
    %select_n3A_120 = arith.select %eq3A_117, %or3A_115, %broadcast_in_dim3A_119 : vector<16x128xi1>, vector<16x128xi32>
    %min3A_121 = arith.minsi %min3A_105, %select_n3A_120 : vector<16x128xi32>
    %mul3A_122 = arith.constant 8 : i32
    %mul3A_123 = vector.broadcast %mul3A_122 : i32 to vector<16x128xi32>
    %mul3A_124 = arith.muli %scan3A_6#15, %mul3A_123 : vector<16x128xi32>
    %add3A_125 = arith.constant 7 : i32
    %add3A_126 = vector.broadcast %add3A_125 : i32 to vector<16x128xi32>
    %add3A_127 = arith.addi %mul3A_124, %add3A_126 : vector<16x128xi32>
    %shift_left3A_128 = arith.constant 7 : i32
    %shift_left3A_129 = vector.broadcast %shift_left3A_128 : i32 to vector<16x128xi32>
    %shift_left3A_130 = arith.shli %add3A_127, %shift_left3A_129 : vector<16x128xi32>
    %or3A_131 = arith.ori %shift_left3A_130, %iota3A : vector<16x128xi32>
    %eq3A_132 = vector.broadcast %broadcast_in_dim3A_15 : vector<16x1xf32> to vector<16x128xf32>
    %eq3A_133 = arith.cmpf oeq, %scan3A_6#7, %eq3A_132 : vector<16x128xf32>
    %jit3A_134 = arith.constant 1073741824 : i32
    %broadcast_in_dim3A_135 = vector.broadcast %jit3A_134 : i32 to vector<16x128xi32>
    %select_n3A_136 = arith.select %eq3A_133, %or3A_131, %broadcast_in_dim3A_135 : vector<16x128xi1>, vector<16x128xi32>
    %min3A_137 = arith.minsi %min3A_121, %select_n3A_136 : vector<16x128xi32>
    %reduce_min3A = arith.constant dense<2147483647> : vector<16xi32>
    %reduce_min3A_138 = vector.multi_reduction <minsi>, %min3A_137, %reduce_min3A [1] : vector<16x128xi32> to vector<16xi32>
    %broadcast_in_dim3A_139 = vector.shape_cast %reduce_min3A_138 : vector<16xi32> to vector<16x1xi32>
    %broadcast_in_dim3A_140 = vector.shape_cast %broadcast_in_dim3A_139 : vector<16x1xi32> to vector<16x1xi32>
    %broadcast_in_dim3A_141 = vector.broadcast %broadcast_in_dim3A_140 : vector<16x1xi32> to vector<16x128xi32>
    %convert_element_type3A = arith.sitofp %broadcast_in_dim3A_141 : vector<16x128xi32> to vector<16x128xf32>
    %swap3A = arith.constant 0 : index
    %swap3A_142 = arith.constant 0 : index
    %swap3A_143 = vector.load %arg2[%swap3A, %swap3A_142] : memref<16x128xf32, #tpu.memory_space<vmem>>, vector<16x128xf32>
    tpu.vector_store %arg2[%swap3A, %swap3A_142], %convert_element_type3A {strides = array<i32>} : memref<16x128xf32, #tpu.memory_space<vmem>>, vector<16x128xf32>,
    return
  }
  func.func @transform_0(%arg0: i32) -> (i32, i32) {
    %add3A = arith.constant 4 : i32
    %add3A_0 = arith.addi %arg0, %add3A : i32
    %c0_i32 = arith.constant 0 : i32
    %c0_i32_1 = arith.constant 0 : i32
    return %add3A_0, %c0_i32 : i32, i32
  }
  func.func @transform_1(%arg0: i32) -> (i32, i32) {
    %c0_i32 = arith.constant 0 : i32
    %c0_i32_0 = arith.constant 0 : i32
    return %arg0, %c0_i32 : i32, i32
  }
}

</mosaic_0001>

<sc_bundles>
// kernel: kernel.4.cloned.1.call-start
scs
__scs_entry_jumppad:
0x0: {  	(pc) =	sbr.rel $0x88, $3  }
0x1: {  	(tag) =	ssettag $0x0;
	lr =	simm.s32 $0x1  }
0x2: {  	[smem:$0x3FA0] =	sst lr;
	_ =	strace $0xD0000000  }
0x3: {  	_ = 	snop  }
0x4: {  	_ = 	snop  }
0x5: {  	_ = 	snop  }
0x6: {  	_ = 	snop  }
0x7: {  	_ = 	snop  }
__scs_overlays_trampoline_lowered:
0x8: {  	[smem:$0x3FAF] =	sst s0  }
0x9: {  	[smem:$0x3FB0] =	sst s1  }
0xa: {  	[smem:$0x3FB1] =	sst s2  }
0xb: {  	[smem:$0x3FB2] =	sst s3  }
0xc: {  	[smem:$0x3FB3] =	sst s4  }
0xd: {  	[smem:$0x3FB4] =	sst s5  }
0xe: {  	[smem:$0x3FB5] =	sst s6  }
0xf: {  	[smem:$0x3FB6] =	sst s7  }
0x10: {  	[smem:$0x3FB7] =	sst s8  }
0x11: {  	[smem:$0x3FB8] =	sst s9;
	s0 =	simm.s32 @!p0 $0x0  }
0x12: {  	s1 =	sld [smem:$0x3F9E];
	s0 =	simm.s32 @p0 $0x1  }
0x13: {  	[smem:$0x3FB9] =	sst s0;
	s0 =	simm.s32 @!p1 $0x0  }
0x14: {  	s2 =	sld [smem:$0x3F9D];
	s0 =	simm.s32 @p1 $0x1  }
0x15: {  	[smem:$0x3FBA] =	sst s0;
	s0 =	simm.s32 @!p2 $0x0  }
0x16: {  	s3 =	sld [smem:$0x3FDB];
	s0 =	simm.s32 @p2 $0x1  }
0x17: {  	s4 =	simm.s32 $0x1BF5;
	[smem:$0x3FBC] =	sst s0  }
0x18: {  	s0 =	sld [smem:$0x3F9F];
	_ =	swait.ge [sflag:s4], $0x0  }
0x19: {  	s7 =	sld [smem:$0x3FA0]  }
0x1a: {  	s8 =	sadd.s32 $0xFFFFE003, lr  }
0x1b: {  	s9 =	sadd.s32 $0xFFFFFEF7, lr;
	s5 =	simm.s32 $0xFFFFFFFF;
	p2 =	slt.u32 s8, $0xFFFFF086  }
0x1c: {  	p1 =	slt.u32 s9, $0xF7A;
	s5 =	simm.s32 @!p2 $0x0  }
0x1d: {  	s5 =	simm.s32 @p1 $0x1;
	p0 =	seq.s32 s7, s2  }
0x1e: {  	s7 =	smul.u32 @!p0 $0xF7A, s2;
	p2 =	seq.s32 @!p0 s5, $0x0  }
0x1f: {  	s9 =	smul.u32 $0xF7A, s1;
	s8 =	simm.s32 @!p0 $0x1BF5;
	p2 =	por !p2, p0  }
0x20: {  	[sflag:s8] =	ssyncset.s32 @!p0 $0xFFFFF086;
	s6 =	sadd.s32 @!p0 s3, s7;
	s7 =	simm.s32 @!p0 $0x108  }
0x21: {  	s3 =	sadd.s32 s3, s9;
	s6 =	sadd.s32 @!p0 $0x88, s6;
	s7 =	simm.s32 @p2 $0x1082  }
0x22: {  	[simem:s7], [sflag:s8] =	dma.local @!p0 [hbm:s6], $0xF7A  }
0x23: {  	s9 =	sor.u32 $0xD0000000, s2;
	s6 =	simm.s32 $0x108;
	_ =	swait.ge @!p0 [sflag:s8], $0x0  }
0x24: {  	s3 =	sadd.s32 $0x88, s3;
	s6 =	simm.s32 @!p1 $0x1082;
	[sflag:s4] =	ssyncset.s32 $0xFFFFF086  }
0x25: {  	[simem:s6], [sflag:s4] =	dma.local [hbm:s3], $0xF7A  }
0x26: {  	[smem:$0x3FA0] =	sst s1;
	(tag) =	ssettag s2;
	_ =	strace s9  }
0x27: {  	s1 =	sld [smem:$0x3FB0]  }
0x28: {  	s2 =	sld [smem:$0x3FB1]  }
0x29: {  	s4 =	sld [smem:$0x3FB3]  }
0x2a: {  	p0 =	seq.s32 s5, $0x0;
	s5 =	sld [smem:$0x3FB4]  }
0x2b: {  	s6 =	sld [smem:$0x3FB5]  }
0x2c: {  	s7 =	sld [smem:$0x3FB6]  }
0x2d: {  	s3 =	simm.s32 $0x108;
	s8 =	sld [smem:$0x3FB7]  }
0x2e: {  	s3 =	simm.s32 @!p0 $0x1082;
	s9 =	sld [smem:$0x3FB8]  }
0x2f: {  	lr =	sadd.s32 s0, s3;
	s0 =	sld [smem:$0x3FAF]  }
0x30: {  	s3 =	sld [smem:$0x3FB2]  }
0x31: {  	[smem:$0x3FBB] =	sst s10  }
0x32: {  	s10 =	sld [smem:$0x3FB9];
	_ =	sdelay $0x3  }
0x33: {  	p0 =	seq.s32 s10, $0x1;
	s10 =	sld [smem:$0x3FBB];
	_ =	sdelay $0x3  }
0x34: {  	[smem:$0x3FBB] =	sst s10  }
0x35: {  	s10 =	sld [smem:$0x3FBA];
	_ =	sdelay $0x3  }
0x36: {  	p1 =	seq.s32 s10, $0x1;
	s10 =	sld [smem:$0x3FBB];
	_ =	sdelay $0x3  }
0x37: {  	[smem:$0x3FBB] =	sst s10  }
0x38: {  	s10 =	sld [smem:$0x3FBC]  }
0x39: {  	_ = 	snop;
	(pc) =	sbr.ind lr, $3  }
0x3a: {  	_ = 	snop  }
0x3b: {  	_ = 	snop  }
0x3c: {  	p2 =	seq.s32 s10, $0x1;
	s10 =	sld [smem:$0x3FBB]  }
0x3d: {  	_ =	shalt  }
0x3e: {  	_ =	shalt  }
0x3f: {  	_ =	shalt  }
0x40: {  	_ =	shalt  }
0x41: {  	_ =	shalt  }
0x42: {  	_ =	shalt  }
0x43: {  	_ =	shalt  }
0x44: {  	_ =	shalt  }
0x45: {  	_ =	shalt  }
0x46: {  	_ =	shalt  }
0x47: {  	_ =	shalt  }
0x48: {  	_ =	shalt  }
0x49: {  	_ =	shalt  }
0x4a: {  	_ =	shalt  }
0x4b: {  	_ =	shalt  }
0x4c: {  	_ =	shalt  }
0x4d: {  	_ =	shalt  }
0x4e: {  	_ =	shalt  }
0x4f: {  	_ =	shalt  }
0x50: {  	_ =	shalt  }
0x51: {  	_ =	shalt  }
0x52: {  	_ =	shalt  }
0x53: {  	_ =	shalt  }
0x54: {  	_ =	shalt  }
0x55: {  	_ =	shalt  }
0x56: {  	_ =	shalt  }
0x57: {  	_ =	shalt  }
0x58: {  	_ =	shalt  }
0x59: {  	_ =	shalt  }
0x5a: {  	_ =	shalt  }
0x5b: {  	_ =	shalt  }
0x5c: {  	_ =	shalt  }
0x5d: {  	_ =	shalt  }
0x5e: {  	_ =	shalt  }
0x5f: {  	_ =	shalt  }
0x60: {  	_ =	shalt  }
0x61: {  	_ =	shalt  }
0x62: {  	_ =	shalt  }
0x63: {  	_ =	shalt  }
0x64: {  	_ =	shalt  }
0x65: {  	_ =	shalt  }
0x66: {  	_ =	shalt  }
0x67: {  	_ =	shalt  }
0x68: {  	_ =	shalt  }
0x69: {  	_ =	shalt  }
0x6a: {  	_ =	shalt  }
0x6b: {  	_ =	shalt  }
0x6c: {  	_ =	shalt  }
0x6d: {  	_ =	shalt  }
0x6e: {  	_ =	shalt  }
0x6f: {  	_ =	shalt  }
0x70: {  	_ =	shalt  }
0x71: {  	_ =	shalt  }
0x72: {  	_ =	shalt  }
0x73: {  	_ =	shalt  }
0x74: {  	_ =	shalt  }
0x75: {  	_ =	shalt  }
0x76: {  	_ =	shalt  }
0x77: {  	_ =	shalt  }
0x78: {  	_ =	shalt  }
0x79: {  	_ =	shalt  }
0x7a: {  	_ =	shalt  }
0x7b: {  	_ =	shalt  }
0x7c: {  	_ =	shalt  }
0x7d: {  	_ =	shalt  }
0x7e: {  	_ =	shalt  }
0x7f: {  	_ =	shalt  }
0x80: {  	_ =	shalt  }
0x81: {  	_ =	shalt  }
0x82: {  	_ =	shalt  }
0x83: {  	_ =	shalt  }
0x84: {  	_ =	shalt  }
0x85: {  	_ =	shalt  }
0x86: {  	_ =	shalt  }
0x87: {  	_ =	shalt  }
.Lfunc_end0:
.L_simem_size_0:
called_computation_lowered:
.L_overlay_start_0:
0x88: {  	s2 =	sld [smem:$0x3FD9]  }
0x89: {  	s3 =	sld [smem:$0x3FFE];
	_ =	sdelay $0x1  }
0x8a: {  	s1 =	srdreg.scid  }
0x8b: {  	s0 =	sand.u32 $0x1, s1  }
0x8c: {  	s17 =	sshll.u32 s0, $0xA;
	s2 =	sadd.s32 s3, s2  }
0x8d: {  	s2 =	sadd.s32 s2, s17  }
0x8e: {  	[smem:$0x3FC7] =	sst s2  }
0x8f: {  	_ = 	snop  }
0x90: {  	s2 =	sld [smem:$0x3FC9];
	(tm) =	ssettm $0x1  }
0x91: {  	s18 =	sld [smem:$0x3FFB];
	_ =	sdelay $0x3  }
0x92: {  	_ =	strace s18  }
0x93: {  	s3 =	sld [smem:$0x3FFC];
	_ =	sdelay $0x3  }
0x94: {  	_ =	strace s3  }
0x95: {  	s3 =	sld [smem:$0x3FFD];
	_ =	sdelay $0x3  }
0x96: {  	_ =	strace s3  }
0x97: {  	_ =	strace $0x8FFFFFFF  }
0x98: {  	s19 =	sld [smem:$0x3FDB];
	_ =	sdelay $0x1  }
0x99: {  	s4 =	simm.s32 $_scs_section_size  }
0x9a: {  	s5 =	simm.s32 $_size__tile_overlayer_lowered;
	s6 =	simm.s32 $_tile_overlayer_lowered  }
0x9b: {  	s22 =	simm.s32 $0x1BFF;
	s21 =	sshll.u32 s6, $0x1;
	s3 =	sadd.s32 s4, s19  }
0x9c: {  	s7 =	simm.s32 $0x0;
	s20 =	sshll.u32 s5, $0x1;
	s5 =	sadd.s32 s21, s3  }
0x9d: {  	[timem:s7], [sflag:s22] =	dma.local [hbm:s5], s20  }
0x9e: {  	_ =	swait.ge [sflag:s22], s20  }
0x9f: {  	s4 =	ssub.s32 $0x0, s20;
	[sflag:s22] =	ssyncset.done $0x0  }
0xa0: {  	[sflag:s22] =	ssyncadd.s32 s4;
	_ =	sdelay $0x1  }
0xa1: {  	s23 =	simm.s32 $0x1B8B  }
0xa2: {  	_ =	swait.ge [sflag:s23], $0x1  }
0xa3: {  	[sflag:s23] =	ssyncset.done $0x0  }
0xa4: {  	s25 =	simm.s32 $0x1B8E;
	s24 =	sld [smem:$0x3FFE];
	[sflag:s23] =	ssyncadd.s32 $0xFFFFFFFF  }
0xa5: {  	s26 =	simm.s32 $execute0_lowered;
	[smem:$0x3FD2] =	sst s25  }
0xa6: {  	s5 =	sshll.u32 s26, $0x1;
	_ =	strace $0x80000046;
	[dreg:$0x1] =	wrdreg $0xFFFFFFFF  }
0xa7: {  	s28 =	simm.s32 $_size_execute0_lowered;
	s3 =	sadd.s32 s3, s5;
	[dreg:$0x0] =	wrdreg $0x0  }
0xa8: {  	s5 =	sshll.u32 s28, $0x1;
	[dreg:$0x2] =	wrdreg s3  }
0xa9: {  	[dreg:$0x3] =	wrdreg s5  }
0xaa: {  	[dreg:$0x4] =	wrdreg $0xC0  }
0xab: {  	_ =	task [dreg:s7], $0x5FFFF  }
0xac: {  	[dreg:$0x1] =	wrdreg $0xFFFFFFFF  }
0xad: {  	[dreg:$0x0] =	wrdreg $0x60  }
0xae: {  	[dreg:$0x2] =	wrdreg s2  }
0xaf: {  	[dreg:$0x3] =	wrdreg s24  }
0xb0: {  	[dreg:$0x4] =	wrdreg $0x9  }
0xb1: {  	_ =	task.clear_ibuf [dreg:s7], $0x5FFFF;
	_ =	strace $0x90000046  }
0xb2: {  	s29 =	simm.s32 $0x9;
	_ =	strace $0x80000048  }
0xb3: {  	_ =	swait.ge [sflag:s29], $0x1  }
0xb4: {  	[sflag:s29] =	ssyncadd.s32 $0xFFFFFFFF  }
0xb5: {  	_ =	strace $0x90000048  }
0xb6: {  	_ =	sfence  }
0xb7: {  	s30 =	sld [smem:$0x0];
	_ =	sdelay $0x2  }
0xb8: {  	s31 =	sshll.u32 s1, $0xD;
	s1 =	sshrl.u32 s1, $0x2  }
0xb9: {  	s3 =	sand.u32 $0x4000, s31;
	s1 =	sadd.s32 s1, s30  }
0xba: {  	s0 =	sor.u32 s3, s0;
	s1 =	sshll.u32 s1, $0x11  }
0xbb: {  	s0 =	sor.u32 s1, s0  }
0xbc: {  	s0 =	sadd.s32 $0x8F2B, s0  }
0xbd: {  	[sflag:s0] =	ssyncadd.remote.s32 $0x1  }
0xbe: {  	_ =	sfence.sel $0xFFFF  }
0xbf: {  	[dreg:$0x0] =	wrdreg $0xFFFFFFFF;
	(pc) =	sbr.abs _section_cstart, $3  }
0xc0: {  	[dreg:$0x1] =	wrdreg $0xFFFFFFFF  }
0xc1: {  	_ =	task.clear_ibuf [dreg:s7], $0x2FFFF;
	_ =	strace $0x9FFFFFFF  }
0xc2: {  	(tm) =	ssettm $0x7FFFFFFF  }
0xc3: {  	_ =	shalt  }
tec
execute0_lowered:
.L_overlay_start_1:
0x0: {  	(tag) =	ssettag $0x1  }
0x1: {  	s1 =	srdreg.scid;
	s5 =	rddreg [dreg:$0x0]  }
0x2: {  	s0 =	stileid.u32;
	s4 =	rddreg [dreg:$0x1];
	s14 =	simm.s32 $0x8000  }
0x3: {  	s15 =	simm.s32 $0x2;
	s16 =	simm.s32 $0x10000;
	s17 =	simm.s32 $0x5  }
0x4: {  	s18 =	simm.s32 $0xC000;
	s19 =	simm.s32 $0x3;
	s20 =	simm.s32 $0x4  }
0x5: {  	s21 =	simm.s32 $0x0;
	s3 =	sand.u32 $0x1, s1;
	s2 =	sshll.u32 s0, $0x1  }
0x6: {  	v0 =	vimm.s32 $0xEFCDAB89;
	v1 =	vimm.s32 $0x67452301;
	s7 =	sshll.u32 s0, $0x8;
	s11 =	sadd.s32 $0x600, s4;
	s12 =	sadd.s32 $0x4000, s5  }
0x7: {  	v2 =	vimm.s32 $0xDCFE98BA;
	v3 =	vimm.s32 $0x54761032;
	s1 =	sshll.u32 s3, $0x5;
	s7 =	sand.u32 $0x300, s7;
	s3 =	ssub.s32 $0x2, s3  }
0x8: {  	v4 =	vimm.s32 $0xBA98FEDC;
	v5 =	vimm.s32 $0x32107654;
	v6 =	vimm.s32 $0xFEDCBA98;
	s2 =	sor.u32 s2, s1;
	s1 =	rddreg [dreg:$0x2];
	s10 =	sshrl.u32 s3, $0x1  }
0x9: {  	v7 =	vimm.s32 $0x76543210;
	v0 =	vunpack.c.l.s4.s8 v0;
	v1 =	vunpack.c.l.s4.s8 v1;
	s13 =	sor.u32 $0x80, s7;
	s6 =	sshrl.u32 s2, $0x3;
	s2 =	simm.s32 $0x0  }
0xa: {  	v2 =	vunpack.c.l.s4.s8 v2;
	v3 =	vunpack.c.l.s4.s8 v3;
	v4 =	vunpack.c.l.s4.s8 v4;
	s10 =	ssub.s32 s3, s10;
	s8 =	sshll.u32 s6, $0x12;
	[smem:$0x7FF] =	sst s2  }
0xb: {  	v5 =	vunpack.c.l.s4.s8 v5;
	v6 =	vunpack.c.l.s4.s8 v6;
	v0 =	vunpack.c.0.s8.s32 v0;
	s6 =	sshll.u32 s6, $0xA;
	s9 =	sor.u32 s7, s8;
	_ =	strace $0x80000047  }
0xc: {  	v1 =	vunpack.c.0.s8.s32 v1;
	v2 =	vunpack.c.0.s8.s32 v2;
	v3 =	vunpack.c.0.s8.s32 v3;
	s8 =	sor.u32 s13, s8;
	s7 =	sor.u32 s7, s6;
	s31 =	sor.u32 s13, s6  }
0xd: {  	v7 =	vunpack.c.l.s4.s8 v7;
	v4 =	vunpack.c.0.s8.s32 v4;
	v5 =	vunpack.c.0.s8.s32 v5;
	s13 =	simm.s32 $0x1;
	s9 =	sshrl.u32 s9, $0x3;
	s8 =	sshrl.u32 s8, $0x3  }
0xe: {  	v0 =	vcombine.low v1, v0;
	v1 =	vcombine.low v3, v2;
	v2 =	vunpack.c.0.s8.s32 v6;
	s7 =	sshrl.u32 s7, $0x3;
	s3 =	sadd.s32 s5, s9;
	s4 =	sadd.s32 s9, s12  }
0xf: {  	v3 =	vcombine.low v5, v4;
	v4 =	vunpack.c.0.s8.s32 v7;
	s5 =	sadd.s32 s5, s8;
	s6 =	sadd.s32 s11, s7;
	s9 =	sshrl.u32 s31, $0x3  }
0x10: {  	v0 =	vand.u32 $0xF, v0;
	v1 =	vand.u32 $0xF, v1;
	v5 =	vand.u32 $0xF, v2;
	s7 =	sadd.s32 s8, s12;
	s12 =	simm.s32 $0x4000;
	s8 =	sadd.s32 s11, s9  }
0x11: {  	v2 =	vand.u32 $0xF, v3;
	v3 =	vcombine.low v5, v4;
	v4 =	vlaneseq.u32;
	s9 =	smax.u32 s10, $0x1;
	s10 =	simm.s32 $0x80;
	s11 =	simm.s32 $0x400  }
.LBB2_1:
0x12: {  	[tilespmem:s2], [sflag:$0x1] =	stream.strided.gather [hbm4b:s3+s10], $0x4000, s11, s10, $0x38;
	[tilespmem:$0x10080] =	vst v63  }
0x13: {  	_ = 	snop  }
0x14: {  	[tilespmem:s12], [sflag:$0x2] =	stream.strided.gather [hbm4b:s4+s10], $0x4000, s11, s10, $0x38;
	[tilespmem:$0x10080] =	vst v63  }
0x15: {  	_ =	swait.ge [sflag:s13], $0x4000  }
0x16: {  	[sflag:s13] =	ssyncset.done $0x0  }
0x17: {  	s22 =	simm.s32 $0x0;
	[sflag:s13] =	ssyncadd.s32 $0xFFFFC000  }
0x18: {  	v12 =	vld [tilespmem:s22+$0x70]  }
0x19: {  	v5 =	vld [tilespmem:s22+$0x0]  }
0x1a: {  	v6 =	vld [tilespmem:s22+$0x10]  }
0x1b: {  	v13 =	vimm.f32 $-Inf;
	v7 =	vimm.s32 $0x0;
	v19 =	vimm.s32 $0x0;
	v14 =	vld [tilespmem:s22+$0x20]  }
0x1c: {  	v16 =	vimm.s32 $0x0;
	v20 =	vimm.f32 $-Inf;
	v15 =	vimm.s32 $0x0  }
0x1d: {  	v18 =	vimm.f32 $-Inf;
	v21 =	vimm.f32 $-Inf;
	v17 =	vimm.s32 $0x0;
	v24 =	vld [tilespmem:s22+$0x30]  }
0x1e: {  	v22 =	vimm.f32 $-Inf;
	v23 =	vld [tilespmem:s22+$0x40];
	vm0 =	vgt.f32 v12, v13;
	vm1 =	vgt.f32 v5, v13  }
0x1f: {  	v25 =	vld [tilespmem:s22+$0x50];
	v8 =	vmax.f32 v13, v5;
	v10 =	vmax.f32 v13, v6;
	v9 =	vsel vm0, v7, v7  }
0x20: {  	v26 =	vld [tilespmem:s22+$0x60];
	v5 =	vsel vm1, v7, v7;
	vm0 =	vgt.f32 v6, v13;
	v6 =	vmax.f32 v13, v14  }
0x21: {  	s23 =	simm.s32 $0x400;
	s22 =	simm.s32 $0x80;
	v11 =	vsel vm0, v7, v7;
	vm0 =	vgt.f32 v14, v13;
	v14 =	vimm.s32 $0x0  }
.LBB2_2:
0x22: {  	p0 =	sne.s32 s23, $0xFE00;
	v27 =	vld [tilespmem:s22+$0x70];
	v19 =	vsel vm0, v7, v19;
	vm0 =	vgt.f32 v24, v13;
	v13 =	vmax.f32 v13, v24  }
0x23: {  	v28 =	vld [tilespmem:s22+$0x0];
	v16 =	vsel vm0, v7, v16;
	vm0 =	vgt.f32 v23, v20;
	v20 =	vmax.f32 v20, v23  }
0x24: {  	v29 =	vld [tilespmem:s22+$0x10];
	v15 =	vsel vm0, v7, v15;
	vm0 =	vgt.f32 v25, v18;
	v18 =	vmax.f32 v18, v25  }
0x25: {  	v30 =	vld [tilespmem:s22+$0x20];
	v14 =	vsel vm0, v7, v14;
	vm0 =	vgt.f32 v26, v21;
	v21 =	vmax.f32 v21, v26  }
.Ltmp0:
0x26: {  	v22 =	vmax.f32 v22, v12;
	v24 =	vld [tilespmem:s22+$0x30];
	v17 =	vsel vm0, v7, v17;
	(pc) =	sbr.rel @p0 .LBB2_2-.Ltmp0, $4  }
0x27: {  	v7 =	vadd.s32 $0x1, v7;
	v23 =	vld [tilespmem:s22+$0x40];
	vm0 =	vgt.f32 v27, v22;
	v12 =	vmov v27  }
0x28: {  	vm1 =	vgt.f32 v28, v8;
	v8 =	vmax.f32 v8, v28;
	v25 =	vld [tilespmem:s22+$0x50];
	v9 =	vsel vm0, v7, v9  }
0x29: {  	v5 =	vsel vm1, v7, v5;
	vm0 =	vgt.f32 v29, v10;
	v10 =	vmax.f32 v10, v29;
	v26 =	vld [tilespmem:s22+$0x60]  }
0x2a: {  	s22 =	sshra.s32 s23, $0x2;
	s23 =	sadd.s32 $0x200, s23;
	v11 =	vsel vm0, v7, v11;
	vm0 =	vgt.f32 v30, v6;
	v6 =	vmax.f32 v6, v30  }
0x2b: {  	v27 =	vld [tilespmem:s22+$0x70]  }
0x2c: {  	v28 =	vld [tilespmem:s22+$0x0]  }
0x2d: {  	v29 =	vld [tilespmem:s22+$0x10]  }
0x2e: {  	v30 =	vld [tilespmem:s22+$0x20]  }
0x2f: {  	vm1 =	vgt.f32 v24, v13;
	v13 =	vmax.f32 v13, v24;
	v24 =	vld [tilespmem:s22+$0x30]  }
0x30: {  	v31 =	vsel vm0, v7, v19;
	vm0 =	vgt.f32 v23, v20;
	v20 =	vmax.f32 v20, v23;
	v23 =	vld [tilespmem:s22+$0x40]  }
0x31: {  	v16 =	vsel vm1, v7, v16;
	vm1 =	vgt.f32 v25, v18;
	v18 =	vmax.f32 v18, v25;
	v25 =	vld [tilespmem:s22+$0x50]  }
0x32: {  	v15 =	vsel vm0, v7, v15;
	vm0 =	vgt.f32 v26, v21;
	v21 =	vmax.f32 v21, v26;
	v26 =	vld [tilespmem:s22+$0x60];
	[tilespmem:s14], [sflag:$0x3] =	stream.strided.gather [hbm4b:s5+s10], $0x4000, s11, s10, $0x38  }
0x33: {  	v22 =	vmax.f32 v22, v12;
	v32 =	vadd.s32 $0x1, v7;
	v14 =	vsel vm1, v7, v14;
	_ =	swait.ge [sflag:s15], $0x4000  }
0x34: {  	v17 =	vsel vm0, v7, v17;
	vm0 =	vgt.f32 v27, v22;
	vm1 =	vgt.f32 v28, v8;
	[sflag:s15] =	ssyncset.done $0x0  }
0x35: {  	s31 =	simm.s32 $0x0;
	v28 =	vmax.f32 v8, v28;
	v22 =	vmax.f32 v22, v27;
	v33 =	vsel vm0, v32, v9;
	[sflag:s15] =	ssyncadd.s32 $0xFFFFC000  }
0x36: {  	vm0 =	vgt.f32 v29, v10;
	v34 =	vsel vm1, v32, v5;
	vm1 =	vgt.f32 v24, v13;
	v19 =	vld [tilespmem:s31+$0x4070]  }
0x37: {  	v29 =	vmax.f32 v10, v29;
	v12 =	vmax.f32 v20, v23;
	v5 =	vsel vm1, v32, v16;
	v16 =	vld [tilespmem:s31+$0x4000]  }
0x38: {  	v10 =	vadd.s32 $0x1, v32;
	v35 =	vsel vm0, v32, v11;
	vm0 =	vgt.f32 v30, v6;
	v63 =	vld [tilespmem:s31+$0x4020]  }
0x39: {  	v30 =	vmax.f32 v6, v30;
	v6 =	vsel vm0, v32, v31;
	vm0 =	vgt.f32 v23, v20;
	v20 =	vld [tilespmem:s31+$0x4010]  }
0x3a: {  	v11 =	vmax.f32 v13, v24;
	vm1 =	vgt.f32 v25, v18;
	v13 =	vmax.f32 v18, v25  }
0x3b: {  	v7 =	vsel vm1, v32, v14;
	v23 =	vld [tilespmem:s31+$0x4030];
	v8 =	vsel vm0, v32, v15;
	vm0 =	vgt.f32 v26, v21  }
0x3c: {  	v24 =	vld [tilespmem:s31+$0x4040];
	v15 =	vmax.f32 v21, v26;
	v9 =	vsel vm0, v32, v17;
	vm0 =	vgt.f32 v19, v22  }
0x3d: {  	v25 =	vld [tilespmem:s31+$0x4050];
	vm1 =	vgt.f32 v16, v28;
	v17 =	vmax.f32 v28, v16;
	v21 =	vmax.f32 v30, v63  }
0x3e: {  	v26 =	vld [tilespmem:s31+$0x4060];
	v14 =	vsel vm0, v10, v33;
	v16 =	vsel vm1, v10, v34;
	vm0 =	vgt.f32 v20, v29  }
0x3f: {  	s23 =	simm.s32 $0x400;
	s22 =	simm.s32 $0x80;
	v18 =	vmax.f32 v29, v20;
	v20 =	vsel vm0, v10, v35;
	vm0 =	vgt.f32 v63, v30  }
.LBB2_4:
0x40: {  	p0 =	sne.s32 s23, $0xFE00;
	v27 =	vld [tilespmem:s22+$0x4070];
	v6 =	vsel vm0, v10, v6;
	vm0 =	vgt.f32 v23, v11;
	v11 =	vmax.f32 v11, v23  }
0x41: {  	v28 =	vld [tilespmem:s22+$0x4000];
	v5 =	vsel vm0, v10, v5;
	vm0 =	vgt.f32 v24, v12;
	v12 =	vmax.f32 v12, v24  }
0x42: {  	v29 =	vld [tilespmem:s22+$0x4010];
	v8 =	vsel vm0, v10, v8;
	vm0 =	vgt.f32 v25, v13;
	v13 =	vmax.f32 v13, v25  }
0x43: {  	v30 =	vld [tilespmem:s22+$0x4020];
	v7 =	vsel vm0, v10, v7;
	vm0 =	vgt.f32 v26, v15;
	v15 =	vmax.f32 v15, v26  }
.Ltmp1:
0x44: {  	v22 =	vmax.f32 v22, v19;
	v23 =	vld [tilespmem:s22+$0x4030];
	v9 =	vsel vm0, v10, v9;
	(pc) =	sbr.rel @p0 .LBB2_4-.Ltmp1, $4  }
0x45: {  	v10 =	vadd.s32 $0x1, v10;
	v24 =	vld [tilespmem:s22+$0x4040];
	vm0 =	vgt.f32 v27, v22;
	v19 =	vmov v27  }
0x46: {  	vm1 =	vgt.f32 v28, v17;
	v17 =	vmax.f32 v17, v28;
	v25 =	vld [tilespmem:s22+$0x4050];
	v14 =	vsel vm0, v10, v14  }
0x47: {  	v16 =	vsel vm1, v10, v16;
	vm0 =	vgt.f32 v29, v18;
	v18 =	vmax.f32 v18, v29;
	v26 =	vld [tilespmem:s22+$0x4060]  }
0x48: {  	s22 =	sshra.s32 s23, $0x2;
	s23 =	sadd.s32 $0x200, s23;
	v20 =	vsel vm0, v10, v20;
	vm0 =	vgt.f32 v30, v21;
	v21 =	vmax.f32 v21, v30  }
0x49: {  	v27 =	vld [tilespmem:s22+$0x4000]  }
0x4a: {  	v28 =	vld [tilespmem:s22+$0x4010]  }
0x4b: {  	v29 =	vld [tilespmem:s22+$0x4020]  }
0x4c: {  	v30 =	vld [tilespmem:s22+$0x4030]  }
0x4d: {  	v31 =	vld [tilespmem:s22+$0x4040]  }
0x4e: {  	v32 =	vld [tilespmem:s22+$0x4050]  }
0x4f: {  	v35 =	vld [tilespmem:s22+$0x4060];
	v33 =	vmax.f32 v17, v27;
	v34 =	vmax.f32 v18, v28  }
0x50: {  	v36 =	vld [tilespmem:s22+$0x4070];
	v37 =	vmax.f32 v11, v23;
	v38 =	vmax.f32 v21, v29;
	v39 =	vmax.f32 v33, v34  }
0x51: {  	v40 =	vmax.f32 v12, v24;
	v41 =	vmax.f32 v37, v30;
	v39 =	vmax.f32 v39, v38  }
0x52: {  	v42 =	vmax.f32 v13, v25;
	v43 =	vmax.f32 v40, v31;
	v39 =	vmax.f32 v39, v41  }
0x53: {  	v44 =	vmax.f32 v15, v26;
	v45 =	vmax.f32 v42, v32;
	v39 =	vmax.f32 v39, v43  }
0x54: {  	v19 =	vmax.f32 v22, v19;
	v22 =	vmax.f32 v44, v35;
	v39 =	vmax.f32 v39, v45  }
0x55: {  	v46 =	vmax.f32 v19, v36;
	v39 =	vmax.f32 v39, v22  }
0x56: {  	v39 =	vmax.f32 v39, v46  }
0x57: {  	v47 =	vperm.xlane v39, v0  }
0x58: {  	vm1 =	vgt.f32 v23, v11;
	v6 =	vsel vm0, v10, v6;
	vm2 =	vgt.f32 v24, v12  }
0x59: {  	v5 =	vsel vm1, v10, v5;
	vm0 =	vgt.f32 v25, v13;
	v11 =	vmax.f32 v39, v47  }
0x5a: {  	v8 =	vsel vm2, v10, v8;
	vm1 =	vgt.f32 v26, v15;
	v12 =	vperm.xlane v11, v1  }
0x5b: {  	v7 =	vsel vm0, v10, v7;
	vm2 =	vgt.f32 v36, v19;
	vm0 =	vgt.f32 v27, v17  }
0x5c: {  	v11 =	vmax.f32 v11, v12;
	v12 =	vadd.s32 $0x1, v10;
	v10 =	vsel vm1, v10, v9  }
0x5d: {  	vm1 =	vgt.f32 v28, v18;
	v13 =	vperm.xlane v11, v2;
	v14 =	vsel vm2, v12, v14  }
0x5e: {  	v9 =	vsel vm0, v12, v16;
	v15 =	vsel vm1, v12, v20;
	vm1 =	vgt.f32 v30, v37  }
0x5f: {  	v16 =	vsel vm1, v12, v5;
	v5 =	vshll.u32 v9, $0x7;
	v11 =	vmax.f32 v11, v13  }
0x60: {  	vm0 =	vgt.f32 v29, v21;
	v5 =	vor.u32 v4, v5;
	v13 =	vperm.xlane v11, v3  }
0x61: {  	v6 =	vsel vm0, v12, v6;
	vm0 =	vgt.f32 v31, v40;
	vm1 =	vlt.s32 v5, $0x40000000  }
0x62: {  	v8 =	vsel vm0, v12, v8;
	v9 =	vnsel vm1, $0x40000000, v5;
	v13 =	vmax.f32 v11, v13  }
0x63: {  	v5 =	vor.u32 $0x10, v4;
	v11 =	vshll.u32 v15, $0x7;
	vm0 =	veq.f32 v33, v13  }
0x64: {  	vm1 =	vgt.f32 v32, v42;
	v11 =	vor.u32 v5, v11;
	v9 =	vnsel vm0, $0x40000000, v9  }
0x65: {  	v15 =	vsel vm1, v12, v7;
	vm0 =	veq.f32 v34, v13;
	vm1 =	vlt.s32 v9, v11  }
0x66: {  	v7 =	vsel vm1, v9, v11;
	v11 =	vshll.u32 v6, $0x7;
	v6 =	vor.u32 $0x20, v4  }
0x67: {  	v9 =	vsel vm0, v7, v9;
	v7 =	vor.u32 v6, v11;
	vm0 =	veq.f32 v38, v13  }
0x68: {  	v16 =	vshll.u32 v16, $0x7;
	v11 =	vnsel vm0, $0x40000000, v7;
	v7 =	vor.u32 $0x30, v4  }
0x69: {  	vm1 =	veq.f32 v41, v13;
	vm0 =	vlt.s32 v9, v11;
	v16 =	vor.u32 v7, v16  }
0x6a: {  	vm2 =	vgt.f32 v35, v44;
	v9 =	vsel vm0, v9, v11;
	v11 =	vnsel vm1, $0x40000000, v16  }
0x6b: {  	v16 =	vshll.u32 v8, $0x7;
	v8 =	vor.u32 $0x40, v4;
	vm0 =	vlt.s32 v9, v11  }
0x6c: {  	v11 =	vsel vm0, v9, v11;
	v9 =	vor.u32 v8, v16;
	vm0 =	veq.f32 v43, v13  }
0x6d: {  	v15 =	vshll.u32 v15, $0x7;
	v16 =	vnsel vm0, $0x40000000, v9;
	v9 =	vor.u32 $0x50, v4  }
0x6e: {  	vm1 =	veq.f32 v45, v13;
	vm0 =	vlt.s32 v11, v16;
	v15 =	vor.u32 v9, v15  }
0x6f: {  	v10 =	vsel vm2, v12, v10;
	v11 =	vsel vm0, v11, v16;
	v12 =	vnsel vm1, $0x40000000, v15  }
0x70: {  	v15 =	vshll.u32 v10, $0x7;
	v10 =	vor.u32 $0x60, v4;
	vm0 =	vlt.s32 v11, v12  }
0x71: {  	v12 =	vsel vm0, v11, v12;
	v11 =	vor.u32 v10, v15;
	vm0 =	veq.f32 v22, v13  }
0x72: {  	v14 =	vshll.u32 v14, $0x7;
	v15 =	vnsel vm0, $0x40000000, v11;
	v11 =	vor.u32 $0x70, v4  }
0x73: {  	vm1 =	veq.f32 v46, v13;
	vm0 =	vlt.s32 v12, v15;
	v14 =	vor.u32 v11, v14  }
0x74: {  	v12 =	vsel vm0, v12, v15;
	v13 =	vnsel vm1, $0x40000000, v14  }
0x75: {  	vm0 =	vlt.s32 v12, v13  }
0x76: {  	v12 =	vsel vm0, v12, v13  }
0x77: {  	v13 =	vperm.xlane v12, v0;
	_ =	sdelay $0x1  }
0x78: {  	vm0 =	vlt.s32 v12, v13  }
0x79: {  	v12 =	vsel vm0, v12, v13  }
0x7a: {  	v13 =	vperm.xlane v12, v1;
	_ =	sdelay $0x1  }
0x7b: {  	vm0 =	vlt.s32 v12, v13  }
0x7c: {  	v12 =	vsel vm0, v12, v13  }
0x7d: {  	v13 =	vperm.xlane v12, v2;
	_ =	sdelay $0x1  }
0x7e: {  	vm0 =	vlt.s32 v12, v13  }
0x7f: {  	v12 =	vsel vm0, v12, v13  }
0x80: {  	v13 =	vperm.xlane v12, v3;
	_ =	sdelay $0x1  }
0x81: {  	vm0 =	vlt.s32 v12, v13  }
0x82: {  	v12 =	vsel vm0, v12, v13  }
0x83: {  	v12 =	vcvt.s32.f32 v12;
	_ =	sdelay $0x1  }
0x84: {  	s30 =	simm.s32 $0x0;
	[tilespmem:$0x10000] =	vst v12  }
0x85: {  	[hbm4b:s6+s30] =	stream.linear.scatter [tilespmem:s16], [sflag:$0x5], $0x80, $0x38;
	[tilespmem:$0x10080] =	vst v63  }
0x86: {  	_ =	swait.ge [sflag:s17], $0x80  }
0x87: {  	[sflag:s17] =	ssyncset.done $0x0  }
0x88: {  	[sflag:s17] =	ssyncadd.s32 $0xFFFFFF80  }
0x89: {  	[tilespmem:s18], [sflag:$0x4] =	stream.strided.gather [hbm4b:s7+s10], $0x4000, s11, s10, $0x38;
	[tilespmem:$0x10080] =	vst v63  }
0x8a: {  	_ =	swait.ge [sflag:s19], $0x4000  }
0x8b: {  	[sflag:s19] =	ssyncset.done $0x0  }
0x8c: {  	s31 =	simm.s32 $0x0;
	[sflag:s19] =	ssyncadd.s32 $0xFFFFC000  }
0x8d: {  	v19 =	vld [tilespmem:s31+$0x8070]  }
0x8e: {  	v12 =	vld [tilespmem:s31+$0x8000]  }
0x8f: {  	v13 =	vld [tilespmem:s31+$0x8010]  }
0x90: {  	v23 =	vimm.s32 $0x0;
	v24 =	vimm.s32 $0x0;
	v25 =	vimm.f32 $-Inf;
	v21 =	vld [tilespmem:s31+$0x8020]  }
0x91: {  	v26 =	vimm.f32 $-Inf;
	v27 =	vimm.s32 $0x0;
	v28 =	vimm.f32 $-Inf  }
0x92: {  	v20 =	vimm.f32 $-Inf;
	v29 =	vimm.f32 $-Inf;
	v22 =	vimm.s32 $0x0;
	v31 =	vld [tilespmem:s31+$0x8030]  }
0x93: {  	v14 =	vimm.s32 $0x0;
	v30 =	vld [tilespmem:s31+$0x8040];
	vm0 =	vgt.f32 v19, v20;
	vm1 =	vgt.f32 v12, v20  }
0x94: {  	v32 =	vld [tilespmem:s31+$0x8050];
	v15 =	vmax.f32 v20, v12;
	v17 =	vmax.f32 v20, v13;
	v16 =	vsel vm0, v14, v14  }
0x95: {  	v33 =	vld [tilespmem:s31+$0x8060];
	v12 =	vsel vm1, v14, v14;
	vm0 =	vgt.f32 v13, v20;
	v13 =	vmax.f32 v20, v21  }
0x96: {  	s22 =	simm.s32 $0x80;
	s23 =	simm.s32 $0x400;
	v18 =	vsel vm0, v14, v14;
	vm0 =	vgt.f32 v21, v20;
	v21 =	vimm.s32 $0x0  }
.LBB2_6:
0x97: {  	p0 =	sne.s32 s23, $0xFE00;
	v34 =	vld [tilespmem:s22+$0x8070];
	v27 =	vsel vm0, v14, v27;
	vm0 =	vgt.f32 v31, v20;
	v20 =	vmax.f32 v20, v31  }
0x98: {  	v35 =	vld [tilespmem:s22+$0x8000];
	v23 =	vsel vm0, v14, v23;
	vm0 =	vgt.f32 v30, v28;
	v28 =	vmax.f32 v28, v30  }
0x99: {  	v36 =	vld [tilespmem:s22+$0x8010];
	v22 =	vsel vm0, v14, v22;
	vm0 =	vgt.f32 v32, v26;
	v26 =	vmax.f32 v26, v32  }
0x9a: {  	v37 =	vld [tilespmem:s22+$0x8020];
	v21 =	vsel vm0, v14, v21;
	vm0 =	vgt.f32 v33, v29;
	v29 =	vmax.f32 v29, v33  }
.Ltmp2:
0x9b: {  	v25 =	vmax.f32 v25, v19;
	v31 =	vld [tilespmem:s22+$0x8030];
	v24 =	vsel vm0, v14, v24;
	(pc) =	sbr.rel @p0 .LBB2_6-.Ltmp2, $4  }
0x9c: {  	v14 =	vadd.s32 $0x1, v14;
	v30 =	vld [tilespmem:s22+$0x8040];
	vm0 =	vgt.f32 v34, v25;
	v19 =	vmov v34  }
0x9d: {  	vm1 =	vgt.f32 v35, v15;
	v15 =	vmax.f32 v15, v35;
	v32 =	vld [tilespmem:s22+$0x8050];
	v16 =	vsel vm0, v14, v16  }
0x9e: {  	v12 =	vsel vm1, v14, v12;
	vm0 =	vgt.f32 v36, v17;
	v17 =	vmax.f32 v17, v36;
	v33 =	vld [tilespmem:s22+$0x8060]  }
0x9f: {  	s22 =	sshra.s32 s23, $0x2;
	s23 =	sadd.s32 $0x200, s23;
	v18 =	vsel vm0, v14, v18;
	vm0 =	vgt.f32 v37, v13;
	v13 =	vmax.f32 v13, v37  }
0xa0: {  	v34 =	vld [tilespmem:s22+$0x8070]  }
0xa1: {  	v35 =	vld [tilespmem:s22+$0x8000]  }
0xa2: {  	v36 =	vld [tilespmem:s22+$0x8010];
	vm1 =	vgt.f32 v31, v20;
	v20 =	vmax.f32 v20, v31  }
0xa3: {  	v31 =	vld [tilespmem:s22+$0x8020];
	v27 =	vsel vm0, v14, v27;
	v19 =	vmax.f32 v25, v19;
	v38 =	vadd.s32 $0x1, v14  }
0xa4: {  	v37 =	vld [tilespmem:s22+$0x8040];
	vm0 =	vgt.f32 v30, v28;
	v28 =	vmax.f32 v28, v30;
	v23 =	vsel vm1, v14, v23  }
0xa5: {  	v30 =	vld [tilespmem:s22+$0x8030];
	vm1 =	vgt.f32 v32, v26;
	v62 =	vmax.f32 v26, v32;
	v22 =	vsel vm0, v14, v22  }
0xa6: {  	v63 =	vld [tilespmem:s22+$0x8050];
	vm0 =	vgt.f32 v33, v29;
	v29 =	vmax.f32 v29, v33;
	v21 =	vsel vm1, v14, v21  }
0xa7: {  	v25 =	vld [tilespmem:s22+$0x8060];
	_ =	swait.ge [sflag:s20], $0x4000;
	v24 =	vsel vm0, v14, v24;
	vm0 =	vgt.f32 v34, v19;
	vm1 =	vgt.f32 v35, v15  }
0xa8: {  	[sflag:s20] =	ssyncset.done $0x0;
	v35 =	vmax.f32 v15, v35;
	v42 =	vmax.f32 v13, v31;
	v39 =	vsel vm0, v38, v16  }
0xa9: {  	s31 =	simm.s32 $0x0;
	[sflag:s20] =	ssyncadd.s32 $0xFFFFC000;
	vm0 =	vgt.f32 v36, v17;
	v36 =	vmax.f32 v17, v36;
	v40 =	vsel vm1, v38, v12  }
0xaa: {  	v26 =	vld [tilespmem:s31+$0xC070];
	vm1 =	vgt.f32 v30, v20;
	v14 =	vmax.f32 v20, v30;
	v17 =	vmax.f32 v28, v37  }
0xab: {  	v41 =	vsel vm0, v38, v18;
	vm0 =	vgt.f32 v31, v13;
	v12 =	vsel vm1, v38, v23;
	v23 =	vld [tilespmem:s31+$0xC000]  }
0xac: {  	v20 =	vmax.f32 v62, v63;
	vm1 =	vgt.f32 v63, v62;
	v13 =	vsel vm0, v38, v27;
	v27 =	vld [tilespmem:s31+$0xC010]  }
0xad: {  	vm0 =	vgt.f32 v37, v28;
	v15 =	vsel vm1, v38, v21;
	v28 =	vld [tilespmem:s31+$0xC020];
	v21 =	vmax.f32 v29, v25  }
0xae: {  	v31 =	vld [tilespmem:s31+$0xC030];
	v18 =	vsel vm0, v38, v22;
	vm0 =	vgt.f32 v25, v29;
	v29 =	vmax.f32 v19, v34  }
0xaf: {  	v16 =	vadd.s32 $0x1, v38;
	v30 =	vld [tilespmem:s31+$0xC040];
	v19 =	vsel vm0, v38, v24;
	vm0 =	vgt.f32 v26, v29  }
0xb0: {  	v32 =	vld [tilespmem:s31+$0xC050];
	vm1 =	vgt.f32 v23, v35;
	v24 =	vmax.f32 v35, v23;
	v23 =	vsel vm0, v16, v39  }
0xb1: {  	v33 =	vld [tilespmem:s31+$0xC060];
	v22 =	vsel vm1, v16, v40;
	vm0 =	vgt.f32 v27, v36;
	v27 =	vmax.f32 v36, v27  }
0xb2: {  	s23 =	simm.s32 $0x400;
	s22 =	simm.s32 $0x80;
	v25 =	vsel vm0, v16, v41;
	vm0 =	vgt.f32 v28, v42;
	v28 =	vmax.f32 v42, v28  }
.LBB2_8:
0xb3: {  	p0 =	sne.s32 s23, $0xFE00;
	v34 =	vld [tilespmem:s22+$0xC070];
	v13 =	vsel vm0, v16, v13;
	vm0 =	vgt.f32 v31, v14;
	v14 =	vmax.f32 v14, v31  }
0xb4: {  	v35 =	vld [tilespmem:s22+$0xC000];
	v12 =	vsel vm0, v16, v12;
	vm0 =	vgt.f32 v30, v17;
	v17 =	vmax.f32 v17, v30  }
0xb5: {  	v36 =	vld [tilespmem:s22+$0xC010];
	v18 =	vsel vm0, v16, v18;
	vm0 =	vgt.f32 v32, v20;
	v20 =	vmax.f32 v20, v32  }
0xb6: {  	v37 =	vld [tilespmem:s22+$0xC020];
	v15 =	vsel vm0, v16, v15;
	vm0 =	vgt.f32 v33, v21;
	v21 =	vmax.f32 v21, v33  }
.Ltmp3:
0xb7: {  	v29 =	vmax.f32 v29, v26;
	v31 =	vld [tilespmem:s22+$0xC030];
	v19 =	vsel vm0, v16, v19;
	(pc) =	sbr.rel @p0 .LBB2_8-.Ltmp3, $4  }
0xb8: {  	v16 =	vadd.s32 $0x1, v16;
	v30 =	vld [tilespmem:s22+$0xC040];
	vm0 =	vgt.f32 v34, v29;
	v26 =	vmov v34  }
0xb9: {  	vm1 =	vgt.f32 v35, v24;
	v24 =	vmax.f32 v24, v35;
	v32 =	vld [tilespmem:s22+$0xC050];
	v23 =	vsel vm0, v16, v23  }
0xba: {  	v22 =	vsel vm1, v16, v22;
	vm0 =	vgt.f32 v36, v27;
	v27 =	vmax.f32 v27, v36;
	v33 =	vld [tilespmem:s22+$0xC060]  }
0xbb: {  	s22 =	sshra.s32 s23, $0x2;
	s23 =	sadd.s32 $0x200, s23;
	v25 =	vsel vm0, v16, v25;
	vm0 =	vgt.f32 v37, v28;
	v28 =	vmax.f32 v28, v37  }
0xbc: {  	v34 =	vld [tilespmem:s22+$0xC000]  }
0xbd: {  	v35 =	vld [tilespmem:s22+$0xC010]  }
0xbe: {  	v36 =	vld [tilespmem:s22+$0xC020]  }
0xbf: {  	v37 =	vld [tilespmem:s22+$0xC030]  }
0xc0: {  	v38 =	vld [tilespmem:s22+$0xC040]  }
0xc1: {  	v39 =	vld [tilespmem:s22+$0xC050]  }
0xc2: {  	v42 =	vld [tilespmem:s22+$0xC060];
	v40 =	vmax.f32 v24, v34;
	v41 =	vmax.f32 v27, v35  }
0xc3: {  	v43 =	vld [tilespmem:s22+$0xC070];
	v44 =	vmax.f32 v14, v31;
	v45 =	vmax.f32 v28, v36;
	v46 =	vmax.f32 v40, v41  }
0xc4: {  	v47 =	vmax.f32 v17, v30;
	v48 =	vmax.f32 v44, v37;
	v46 =	vmax.f32 v46, v45  }
0xc5: {  	v49 =	vmax.f32 v20, v32;
	v50 =	vmax.f32 v47, v38;
	v46 =	vmax.f32 v46, v48  }
0xc6: {  	v51 =	vmax.f32 v21, v33;
	v52 =	vmax.f32 v49, v39;
	v46 =	vmax.f32 v46, v50  }
0xc7: {  	v26 =	vmax.f32 v29, v26;
	v29 =	vmax.f32 v51, v42;
	v46 =	vmax.f32 v46, v52  }
0xc8: {  	v53 =	vmax.f32 v26, v43;
	v46 =	vmax.f32 v46, v29  }
0xc9: {  	v46 =	vmax.f32 v46, v53  }
0xca: {  	vm1 =	vgt.f32 v31, v14;
	v13 =	vsel vm0, v16, v13;
	v56 =	vperm.xlane v46, v0  }
0xcb: {  	v58 =	vadd.s32 $0x1, v16;
	vm8 =	vgt.f32 v30, v17;
	v12 =	vsel vm1, v16, v12  }
0xcc: {  	vm9 =	vgt.f32 v32, v20;
	v17 =	vsel vm8, v16, v18;
	v14 =	vmax.f32 v46, v56  }
0xcd: {  	vm10 =	vgt.f32 v33, v21;
	v15 =	vsel vm9, v16, v15;
	v57 =	vperm.xlane v14, v1  }
0xce: {  	v19 =	vsel vm10, v16, v19;
	vm11 =	vgt.f32 v43, v26;
	vm12 =	vgt.f32 v34, v24  }
0xcf: {  	vm13 =	vgt.f32 v35, v27;
	vm14 =	vgt.f32 v36, v28;
	v14 =	vmax.f32 v14, v57  }
0xd0: {  	vm15 =	vgt.f32 v37, v44;
	vm4 =	vgt.f32 v38, v47;
	v61 =	vperm.xlane v14, v2  }
0xd1: {  	vm5 =	vgt.f32 v39, v49;
	vm6 =	vgt.f32 v42, v51;
	v59 =	vsel vm11, v58, v23  }
0xd2: {  	v60 =	vsel vm12, v58, v22;
	v62 =	vsel vm13, v58, v25;
	v14 =	vmax.f32 v14, v61  }
0xd3: {  	v13 =	vsel vm14, v58, v13;
	v18 =	vshll.u32 v60, $0x7;
	v21 =	vperm.xlane v14, v3  }
0xd4: {  	v12 =	vsel vm15, v58, v12;
	v17 =	vsel vm4, v58, v17;
	v18 =	vor.u32 v4, v18  }
0xd5: {  	v15 =	vsel vm5, v58, v15;
	vm7 =	vlt.s32 v18, $0x40000000;
	v14 =	vmax.f32 v14, v21  }
0xd6: {  	v63 =	vshll.u32 v62, $0x7;
	v18 =	vnsel vm7, $0x40000000, v18;
	vm8 =	veq.f32 v40, v14  }
0xd7: {  	v13 =	vshll.u32 v13, $0x7;
	v5 =	vor.u32 v5, v63;
	v18 =	vnsel vm8, $0x40000000, v18  }
0xd8: {  	v16 =	vsel vm6, v58, v19;
	v6 =	vor.u32 v6, v13;
	vm1 =	vlt.s32 v18, v5  }
0xd9: {  	vm9 =	veq.f32 v41, v14;
	vm10 =	veq.f32 v45, v14;
	v5 =	vsel vm1, v18, v5  }
0xda: {  	v12 =	vshll.u32 v12, $0x7;
	v6 =	vnsel vm10, $0x40000000, v6;
	v5 =	vsel vm9, v5, v18  }
0xdb: {  	v7 =	vor.u32 v7, v12;
	vm11 =	veq.f32 v48, v14;
	vm0 =	vlt.s32 v5, v6  }
0xdc: {  	v5 =	vsel vm0, v5, v6;
	v6 =	vnsel vm11, $0x40000000, v7;
	v7 =	vshll.u32 v17, $0x7  }
0xdd: {  	vm12 =	veq.f32 v50, v14;
	vm0 =	vlt.s32 v5, v6;
	v7 =	vor.u32 v8, v7  }
0xde: {  	v5 =	vsel vm0, v5, v6;
	v6 =	vnsel vm12, $0x40000000, v7;
	v7 =	vshll.u32 v15, $0x7  }
0xdf: {  	vm13 =	veq.f32 v52, v14;
	vm0 =	vlt.s32 v5, v6;
	v7 =	vor.u32 v9, v7  }
0xe0: {  	v5 =	vsel vm0, v5, v6;
	v6 =	vnsel vm13, $0x40000000, v7;
	v7 =	vshll.u32 v16, $0x7  }
0xe1: {  	vm14 =	veq.f32 v29, v14;
	vm0 =	vlt.s32 v5, v6;
	v7 =	vor.u32 v10, v7  }
0xe2: {  	v5 =	vsel vm0, v5, v6;
	v6 =	vnsel vm14, $0x40000000, v7;
	v7 =	vshll.u32 v59, $0x7  }
0xe3: {  	vm15 =	veq.f32 v53, v14;
	vm0 =	vlt.s32 v5, v6;
	v7 =	vor.u32 v11, v7  }
0xe4: {  	v5 =	vsel vm0, v5, v6;
	v6 =	vnsel vm15, $0x40000000, v7  }
0xe5: {  	vm0 =	vlt.s32 v5, v6  }
0xe6: {  	v5 =	vsel vm0, v5, v6  }
0xe7: {  	v6 =	vperm.xlane v5, v0;
	_ =	sdelay $0x1  }
0xe8: {  	vm0 =	vlt.s32 v5, v6  }
0xe9: {  	v5 =	vsel vm0, v5, v6  }
0xea: {  	v6 =	vperm.xlane v5, v1;
	_ =	sdelay $0x1  }
0xeb: {  	vm0 =	vlt.s32 v5, v6  }
0xec: {  	v5 =	vsel vm0, v5, v6  }
0xed: {  	v6 =	vperm.xlane v5, v2;
	_ =	sdelay $0x1  }
0xee: {  	vm0 =	vlt.s32 v5, v6  }
0xef: {  	v5 =	vsel vm0, v5, v6  }
0xf0: {  	v6 =	vperm.xlane v5, v3;
	_ =	sdelay $0x1  }
0xf1: {  	vm0 =	vlt.s32 v5, v6  }
0xf2: {  	v5 =	vsel vm0, v5, v6  }
0xf3: {  	s21 =	sadd.s32 $0x1, s21;
	v5 =	vcvt.s32.f32 v5  }
0xf4: {  	p0 =	sne.s32 s21, s9  }
.Ltmp4:
0xf5: {  	[tilespmem:$0x10000] =	vst v5;
	(pc) =	sbr.rel @p0 .LBB2_1-.Ltmp4, $4  }
0xf6: {  	[hbm4b:s8+s2] =	stream.linear.scatter [tilespmem:s16], [sflag:$0x5], $0x80, $0x38;
	[tilespmem:$0x10080] =	vst v63  }
0xf7: {  	_ =	swait.ge [sflag:s17], $0x80  }
0xf8: {  	[sflag:s17] =	ssyncset.done $0x0  }
0xf9: {  	[sflag:s17] =	ssyncadd.s32 $0xFFFFFF80  }
0xfa: {  	_ =	sfence.sel $0x180000  }
0xfb: {  	[bflag:$0x0] =	sbarrier.arrive $0xFFFF  }
0xfc: {  	p0 =	sne.s32 s0, $0x0;
	_ =	strace $0x90000047  }
0xfd: {  	s0 =	sadd.s32 @!p0 $0x100000, s1;
	[bflag:$0x2] =	sbarrier.arrive $0xFFFF  }
0xfe: {  	[sflag:s0] =	ssyncadd.tile.s32 @!p0 $0x1;
	_ =	shalt  }
.Lfunc_end2:
_tile_overlayer_lowered:
.L_overlay_start_2:
0xff: {  	(tag) =	ssettag $0x2  }
0x100: {  	s0 =	rddreg [dreg:$0x0];
	s2 =	stileid.u32  }
0x101: {  	s1 =	rddreg [dreg:$0x1];
	p0 =	sne.s32 s2, $0x0  }
0x102: {  	s3 =	rddreg [dreg:$0x2];
	[bflag:$0x3] =	sbarrier.arrive $0xFFFF;
	s2 =	simm.s32 @!p0 $0x1C05  }
0x103: {  	[timem:s3], [sflag:s2] =	dma.local @!p0 [hbm:s0], s1  }
0x104: {  	s0 =	simm.s32 @!p0 $0x5  }
0x105: {  	_ =	swait.ge @!p0 [sflag:s0], s1  }
0x106: {  	s1 =	ssub.s32 @!p0 $0x0, s1;
	[sflag:s0] =	ssyncset.done @!p0 $0x0  }
0x107: {  	[sflag:s0] =	ssyncadd.s32 @!p0 s1  }
0x108: {  	[bflag:$0x3] =	sbarrier.arrive $0xFFFF  }
0x109: {  	_ =	shalt  }

</sc_bundles>
